<compile_context>
chip_gen: v7x
topology: tpu7x:2x2x1
jax: 0.10.2.dev20260603
libtpu: 0.0.44.dev20260713+nightly
codegen_flags: <defaults>
</compile_context>

<pallas_src>
import functools

import jax
import jax.numpy as jnp
from jax import lax
from jax.experimental import pallas as pl
from jax.experimental.pallas import tpu as pltpu
from jax.experimental.pallas import tpu_sc as plsc

EPS = 1e-5
NC = 2
NS = 16
K = 128
F0 = 0.64


def _dot_t(a, w):
    return lax.dot_general(a, w, (((1,), (1,)), ((), ())),
                           preferred_element_type=jnp.float32)


def _split_chunks(E):
    CT = -(-E // K)
    C0 = -(-int(CT * F0) // NS)
    C1 = max(1, -(-(CT - NS * C0) // NS))
    return C0, C1


def _make_sc_agg(N_A, D, C0, C1):
    mesh = plsc.VectorSubcoreMesh(core_axis_name="c", subcore_axis_name="s",
                                  num_cores=NC, num_subcores=NS)
    R = N_A // NS

    @functools.partial(
        pl.kernel,
        out_type=jax.ShapeDtypeStruct((NC, N_A, D), jnp.float32),
        mesh=mesh,
        scratch_types=[
            pltpu.VMEM((C0, K), jnp.int32),
            pltpu.VMEM((C0, K), jnp.int32),
            pltpu.VMEM((K, D), jnp.float32),
            pltpu.VMEM_SHARED((N_A, D), jnp.float32),
            pltpu.SemaphoreType.DMA,
        ],
    )
    def sc_agg(src_hbm, dst_hbm, m_hbm, out_hbm,
               src_v, dst_v, rows_v, agg_sh, sem):
        cid = lax.axis_index("c")
        sid = lax.axis_index("s")
        wid = cid * NS + sid

        zv = jnp.zeros((16,), jnp.float32)

        def zrow(j, carry):
            def zcol(l, carry2):
                rows_v[j, pl.ds(l * 16, 16)] = zv
                return carry2
            return lax.fori_loop(0, D // 16, zcol, carry)

        lax.fori_loop(0, K, zrow, 0)
        base = sid * R
        nfull = R // K
        for t in range(nfull):
            pltpu.sync_copy(rows_v, agg_sh.at[pl.ds(base + t * K, K)])
        rem = R - nfull * K
        if rem:
            pltpu.sync_copy(rows_v.at[pl.ds(0, rem)],
                            agg_sh.at[pl.ds(base + nfull * K, rem)])
        pltpu.sync_copy(src_hbm.at[wid], src_v)
        pltpu.sync_copy(dst_hbm.at[wid], dst_v)
        plsc.subcore_barrier()

        def body(c, carry):
            pltpu.async_copy(m_hbm.at[src_v.at[c]], rows_v, sem).wait()
            pltpu.sync_copy(rows_v, agg_sh.at[dst_v.at[c]], add=True)
            return carry

        n_chunks = jnp.where(cid == 0, C0, C1)
        lax.fori_loop(0, n_chunks, body, 0)
        plsc.subcore_barrier()
        pltpu.sync_copy(agg_sh.at[pl.ds(sid * R, R)],
                        out_hbm.at[cid, pl.ds(sid * R, R)])

    return sc_agg


def _tc_pre(x_ref, aw_ref, vw_ref, vb_ref, m_ref, hv_ref):
    N = x_ref.shape[0]
    x = x_ref[...]
    m_ref[0:N, :] = _dot_t(x, aw_ref[...])
    m_ref[N:, :] = jnp.zeros((m_ref.shape[0] - N, x_ref.shape[1]), jnp.float32)
    hv_ref[...] = _dot_t(x, vw_ref[...]) + vb_ref[...]


def _bn_relu(hv, aggp, ab, g, b):
    N = hv.shape[0]
    agg = aggp[0, :N, :] + aggp[1, :N, :]
    h = jnp.maximum(hv + agg + ab, 0.0)
    mu = jnp.mean(h, axis=0, keepdims=True)
    var = jnp.mean((h - mu) ** 2, axis=0, keepdims=True)
    return (h - mu) * lax.rsqrt(var + EPS) * g + b


def _tc_mid(hv_ref, aggp_ref, ab_ref, g_ref, b_ref, aw2_ref, vw2_ref,
            vb2_ref, m_ref, hv2_ref):
    N = hv_ref.shape[0]
    hn = _bn_relu(hv_ref[...], aggp_ref[...], ab_ref[...], g_ref[...],
                  b_ref[...])
    m_ref[0:N, :] = _dot_t(hn, aw2_ref[...])
    m_ref[N:, :] = jnp.zeros((m_ref.shape[0] - N, hv_ref.shape[1]),
                             jnp.float32)
    hv2_ref[...] = _dot_t(hn, vw2_ref[...]) + vb2_ref[...]


def _tc_post(hv_ref, aggp_ref, ab_ref, g_ref, b_ref, pw_ref, pb_ref, o_ref):
    hn = _bn_relu(hv_ref[...], aggp_ref[...], ab_ref[...], g_ref[...],
                  b_ref[...])
    o_ref[...] = _dot_t(hn, pw_ref[...]) + pb_ref[...]


def kernel(x, edge_index, batch, V0_w, V0_b, A0_w, A0_b, bn0_g, bn0_b,
           V1_w, V1_b, A1_w, A1_b, bn1_g, bn1_b, pred_w, pred_b):
    N, D = x.shape
    E = edge_index.shape[1]
    OUT = pred_w.shape[0]
    C0, C1 = _split_chunks(E)
    E_pad = NS * (C0 + C1) * K
    N_A = ((N + 1 + 127) // 128) * 128

    pad = E_pad - E

    def part(idx):
        flat = jnp.concatenate([idx, jnp.full((pad,), N, jnp.int32)])
        p0 = flat[:NS * C0 * K].reshape(NS, C0, K)
        p1 = flat[NS * C0 * K:].reshape(NS, C1, K)
        p1 = jnp.pad(p1, ((0, 0), (0, C0 - C1), (0, 0)), constant_values=N)
        return jnp.concatenate([p0, p1], axis=0)

    src_p = part(edge_index[0])
    dst_p = part(edge_index[1])

    vb0 = V0_b.reshape(1, D)
    ab0 = A0_b.reshape(1, D)
    g0 = bn0_g.reshape(1, D)
    b0 = bn0_b.reshape(1, D)
    vb1 = V1_b.reshape(1, D)
    ab1 = A1_b.reshape(1, D)
    g1 = bn1_g.reshape(1, D)
    b1 = bn1_b.reshape(1, D)
    pb = pred_b.reshape(1, OUT)

    sc_agg = _make_sc_agg(N_A, D, C0, C1)

    fA = jax.ShapeDtypeStruct((N_A, D), jnp.float32)
    fN = jax.ShapeDtypeStruct((N, D), jnp.float32)

    m0, hv0 = pl.pallas_call(_tc_pre, out_shape=(fA, fN))(x, A0_w, V0_w, vb0)
    aggp0 = sc_agg(src_p, dst_p, m0)
    m1, hv1 = pl.pallas_call(_tc_mid, out_shape=(fA, fN))(
        hv0, aggp0, ab0, g0, b0, A1_w, V1_w, vb1)
    aggp1 = sc_agg(src_p, dst_p, m1)
    out = pl.pallas_call(
        _tc_post, out_shape=jax.ShapeDtypeStruct((N, OUT), jnp.float32))(
            hv1, aggp1, ab1, g1, b1, pred_w, pb)
    return out

# --- scband reference (transcript-rebuilt; emitter-appended) ---
"""Pipeline reference for scband-acgnn-77790447665930 (READ-ONLY COPY).

The authoritative reference and input builder live on the scoring server;
editing this copy changes nothing except your own understanding.
"""

import jax, jax.numpy as jnp
import numpy as np

N = 10000
E = 320000
D = 128
OUT = 16
EPS = 1e-5


def setup_inputs(seed: int = 0) -> dict:
    key = jax.random.key(seed)
    ks = jax.random.split(key, 20)
    s = 1.0 / np.sqrt(D)
    x = jax.random.normal(ks[0], (N, D), dtype=jnp.float32)
    edge_index = jax.random.randint(ks[1], (2, E), 0, N, dtype=jnp.int32)
    batch = jnp.zeros((N,), dtype=jnp.int32)
    inp = {"x": x, "edge_index": edge_index, "batch": batch}
    for l in range(2):
        inp[f"V{l}_w"] = jax.random.uniform(ks[2 + 6 * l], (D, D), jnp.float32, -s, s)
        inp[f"V{l}_b"] = jax.random.uniform(ks[3 + 6 * l], (D,), jnp.float32, -s, s)
        inp[f"A{l}_w"] = jax.random.uniform(ks[4 + 6 * l], (D, D), jnp.float32, -s, s)
        inp[f"A{l}_b"] = jax.random.uniform(ks[5 + 6 * l], (D,), jnp.float32, -s, s)
        inp[f"bn{l}_g"] = jnp.ones((D,), jnp.float32)
        inp[f"bn{l}_b"] = jnp.zeros((D,), jnp.float32)
    sp = 1.0 / np.sqrt(D)
    inp["pred_w"] = jax.random.uniform(ks[14], (OUT, D), jnp.float32, -sp, sp)
    inp["pred_b"] = jax.random.uniform(ks[15], (OUT,), jnp.float32, -sp, sp)
    return inp


def reference(x, edge_index, batch, V0_w, V0_b, A0_w, A0_b, bn0_g, bn0_b,
              V1_w, V1_b, A1_w, A1_b, bn1_g, bn1_b, pred_w, pred_b):
    # padding: ConstantPad1d((0, hidden_dim - input_dim)) is a no-op since hidden==input
    h = x
    src = edge_index[0]
    dst = edge_index[1]
    layers = [
        (V0_w, V0_b, A0_w, A0_b, bn0_g, bn0_b),
        (V1_w, V1_b, A1_w, A1_b, bn1_g, bn1_b),
    ]
    for (Vw, Vb, Aw, Ab, g, b) in layers:
        # ACConv: sum-aggregate neighbor messages, 'simple' combine V*h + A*agg
        msgs = jnp.take(h, src, axis=0)
        agg = jax.ops.segment_sum(msgs, dst, num_segments=N)
        h = h @ Vw.T + Vb + agg @ Aw.T + Ab
        h = jax.nn.relu(h)
        # BatchNorm1d (training mode: batch statistics over nodes)
        mean = jnp.mean(h, axis=0)
        var = jnp.var(h, axis=0)
        h = (h - mean) / jnp.sqrt(var + EPS) * g + b
    return h @ pred_w.T + pred_b

if __name__ == "__main__":
    import jax
    _d = setup_inputs()
    print(jax.jit(kernel)(*tuple(_d.values())))

</pallas_src>

<mosaic_0001>
#map = affine_map<(d0, d1) -> (0, 0, 0)>
#map1 = affine_map<(d0, d1) -> (0, 0)>
module attributes {stable_mosaic.version = 14 : i64} {
  func.func @sc_agg(%arg0: i32, %arg1: i32, %arg2: memref<32x100x128xi32, #tpu.memory_space<hbm>>, %arg3: memref<32x100x128xi32, #tpu.memory_space<hbm>>, %arg4: memref<10112x128xf32, #tpu.memory_space<hbm>>, %arg5: memref<2x10112x128xf32, #tpu.memory_space<hbm>>, %arg6: memref<100x128xi32, #tpu.memory_space<vmem>>, %arg7: memref<100x128xi32, #tpu.memory_space<vmem>>, %arg8: memref<128x128xf32, #tpu.memory_space<vmem>>, %arg9: memref<10112x128xf32, #tpu.memory_space<vmem_shared>>, %arg10: memref<!tpu.dma_semaphore, #tpu.memory_space<semaphore_mem>>) attributes {dimension_semantics = [#tpu.dimension_semantics<core_parallel>, #tpu.dimension_semantics<subcore_parallel>], iteration_bounds = array<i64: 2, 16>, scalar_prefetch = 0 : i64, scratch_operands = 5 : i64, tpu.core_type = #tpu.core_type<sc_vector_subcore>, window_params = [{transform_indices = #map}, {transform_indices = #map}, {transform_indices = #map1}, {transform_indices = #map}]} {
    %mul3A = arith.constant 16 : i32
    %mul3A_0 = arith.muli %arg0, %mul3A : i32
    %add3A = arith.addi %mul3A_0, %arg1 : i32
    %broadcast_in_dim3A = arith.constant 0.000000e+00 : f32
    %broadcast_in_dim3A_1 = vector.broadcast %broadcast_in_dim3A : f32 to vector<16xf32>
    %scan3A = arith.constant 0 : i32
    %scan3A_2 = arith.constant 0 : i32
    %scan3A_3 = arith.constant 128 : i32
    %scan3A_4 = arith.addi %scan3A_2, %scan3A_3 : i32
    %scan3A_5 = arith.constant 1 : i32
    scf.for %scan3A_35 = %scan3A_2 to %scan3A_4 step %scan3A_5  : i32 {
      %scan3A_36 = arith.constant 0 : i32
      %scan3A_37 = arith.constant 8 : i32
      %scan3A_38 = arith.addi %scan3A_36, %scan3A_37 : i32
      %scan3A_39 = arith.constant 1 : i32
      scf.for %scan3A_41 = %scan3A_36 to %scan3A_38 step %scan3A_39  : i32 {
        %mul3A_42 = arith.constant 16 : i32
        %mul3A_43 = arith.muli %scan3A_41, %mul3A_42 : i32
        %swap3A = arith.index_cast %scan3A_35 : i32 to index
        %swap3A_44 = arith.index_cast %mul3A_43 : i32 to index
        %swap3A_45 = tpu.vector_load %arg8[%swap3A, %swap3A_44] {strides = array<i32>} : memref<128x128xf32, #tpu.memory_space<vmem>>, vector<1x16xf32>,
        %swap3A_46 = vector.shape_cast %swap3A_45 : vector<1x16xf32> to vector<16xf32>
        %swap3A_47 = vector.shape_cast %broadcast_in_dim3A_1 : vector<16xf32> to vector<1x16xf32>
        tpu.vector_store %arg8[%swap3A, %swap3A_44], %swap3A_47 {strides = array<i32>} : memref<128x128xf32, #tpu.memory_space<vmem>>, vector<1x16xf32>,
      }
      %scan3A_40 = arith.constant 8 : i32
    }
    %scan3A_6 = arith.constant 128 : i32
    %mul3A_7 = arith.constant 632 : i32
    %mul3A_8 = arith.muli %arg1, %mul3A_7 : i32
    %add3A_9 = arith.constant 0 : i32
    %add3A_10 = arith.addi %mul3A_8, %add3A_9 : i32
    "tpu.region"() ({
      %run_scoped3A = tpu.sem_alloc : memref<!tpu.dma_semaphore, #tpu.memory_space<semaphore_mem>>
      %dma_start3A = arith.constant 0 : i32
      %dma_start3A_35 = tpu.memref_slice %arg9[%add3A_10, %dma_start3A] : memref<10112x128xf32, #tpu.memory_space<vmem_shared>> -> memref<128x128xf32, #tpu.memory_space<vmem_shared>>
      %dma_start3A_36 = arith.constant 0 : i32
      %dma_start3A_37 = tpu.memref_slice %arg9[%add3A_10, %dma_start3A_36] : memref<10112x128xf32, #tpu.memory_space<vmem_shared>> -> memref<128x128xf32, #tpu.memory_space<vmem_shared>>
      tpu.enqueue_dma source(%arg8 : memref<128x128xf32, #tpu.memory_space<vmem>>) target(%dma_start3A_37 : memref<128x128xf32, #tpu.memory_space<vmem_shared>>) target_semaphore(%run_scoped3A : memref<!tpu.dma_semaphore, #tpu.memory_space<semaphore_mem>>)
      %dma_wait3A = arith.constant 0 : i32
      %dma_wait3A_38 = tpu.memref_slice %arg9[%add3A_10, %dma_wait3A] : memref<10112x128xf32, #tpu.memory_space<vmem_shared>> -> memref<128x128xf32, #tpu.memory_space<vmem_shared>>
      %dma_wait3A_39 = arith.constant 0 : i32
      %dma_wait3A_40 = tpu.memref_slice %arg9[%add3A_10, %dma_wait3A_39] : memref<10112x128xf32, #tpu.memory_space<vmem_shared>> -> memref<128x128xf32, #tpu.memory_space<vmem_shared>>
      tpu.wait_dma2 semaphore(%run_scoped3A : memref<!tpu.dma_semaphore, #tpu.memory_space<semaphore_mem>>) src(%arg8 : memref<128x128xf32, #tpu.memory_space<vmem>>) dst(%dma_wait3A_40 : memref<128x128xf32, #tpu.memory_space<vmem_shared>>)
      tpu.yield
    }) : () -> ()
    %add3A_11 = arith.constant 128 : i32
    %add3A_12 = arith.addi %mul3A_8, %add3A_11 : i32
    "tpu.region"() ({
      %run_scoped3A = tpu.sem_alloc : memref<!tpu.dma_semaphore, #tpu.memory_space<semaphore_mem>>
      %dma_start3A = arith.constant 0 : i32
      %dma_start3A_35 = tpu.memref_slice %arg9[%add3A_12, %dma_start3A] : memref<10112x128xf32, #tpu.memory_space<vmem_shared>> -> memref<128x128xf32, #tpu.memory_space<vmem_shared>>
      %dma_start3A_36 = arith.constant 0 : i32
      %dma_start3A_37 = tpu.memref_slice %arg9[%add3A_12, %dma_start3A_36] : memref<10112x128xf32, #tpu.memory_space<vmem_shared>> -> memref<128x128xf32, #tpu.memory_space<vmem_shared>>
      tpu.enqueue_dma source(%arg8 : memref<128x128xf32, #tpu.memory_space<vmem>>) target(%dma_start3A_37 : memref<128x128xf32, #tpu.memory_space<vmem_shared>>) target_semaphore(%run_scoped3A : memref<!tpu.dma_semaphore, #tpu.memory_space<semaphore_mem>>)
      %dma_wait3A = arith.constant 0 : i32
      %dma_wait3A_38 = tpu.memref_slice %arg9[%add3A_12, %dma_wait3A] : memref<10112x128xf32, #tpu.memory_space<vmem_shared>> -> memref<128x128xf32, #tpu.memory_space<vmem_shared>>
      %dma_wait3A_39 = arith.constant 0 : i32
      %dma_wait3A_40 = tpu.memref_slice %arg9[%add3A_12, %dma_wait3A_39] : memref<10112x128xf32, #tpu.memory_space<vmem_shared>> -> memref<128x128xf32, #tpu.memory_space<vmem_shared>>
      tpu.wait_dma2 semaphore(%run_scoped3A : memref<!tpu.dma_semaphore, #tpu.memory_space<semaphore_mem>>) src(%arg8 : memref<128x128xf32, #tpu.memory_space<vmem>>) dst(%dma_wait3A_40 : memref<128x128xf32, #tpu.memory_space<vmem_shared>>)
      tpu.yield
    }) : () -> ()
    %add3A_13 = arith.constant 256 : i32
    %add3A_14 = arith.addi %mul3A_8, %add3A_13 : i32
    "tpu.region"() ({
      %run_scoped3A = tpu.sem_alloc : memref<!tpu.dma_semaphore, #tpu.memory_space<semaphore_mem>>
      %dma_start3A = arith.constant 0 : i32
      %dma_start3A_35 = tpu.memref_slice %arg9[%add3A_14, %dma_start3A] : memref<10112x128xf32, #tpu.memory_space<vmem_shared>> -> memref<128x128xf32, #tpu.memory_space<vmem_shared>>
      %dma_start3A_36 = arith.constant 0 : i32
      %dma_start3A_37 = tpu.memref_slice %arg9[%add3A_14, %dma_start3A_36] : memref<10112x128xf32, #tpu.memory_space<vmem_shared>> -> memref<128x128xf32, #tpu.memory_space<vmem_shared>>
      tpu.enqueue_dma source(%arg8 : memref<128x128xf32, #tpu.memory_space<vmem>>) target(%dma_start3A_37 : memref<128x128xf32, #tpu.memory_space<vmem_shared>>) target_semaphore(%run_scoped3A : memref<!tpu.dma_semaphore, #tpu.memory_space<semaphore_mem>>)
      %dma_wait3A = arith.constant 0 : i32
      %dma_wait3A_38 = tpu.memref_slice %arg9[%add3A_14, %dma_wait3A] : memref<10112x128xf32, #tpu.memory_space<vmem_shared>> -> memref<128x128xf32, #tpu.memory_space<vmem_shared>>
      %dma_wait3A_39 = arith.constant 0 : i32
      %dma_wait3A_40 = tpu.memref_slice %arg9[%add3A_14, %dma_wait3A_39] : memref<10112x128xf32, #tpu.memory_space<vmem_shared>> -> memref<128x128xf32, #tpu.memory_space<vmem_shared>>
      tpu.wait_dma2 semaphore(%run_scoped3A : memref<!tpu.dma_semaphore, #tpu.memory_space<semaphore_mem>>) src(%arg8 : memref<128x128xf32, #tpu.memory_space<vmem>>) dst(%dma_wait3A_40 : memref<128x128xf32, #tpu.memory_space<vmem_shared>>)
      tpu.yield
    }) : () -> ()
    %add3A_15 = arith.constant 384 : i32
    %add3A_16 = arith.addi %mul3A_8, %add3A_15 : i32
    "tpu.region"() ({
      %run_scoped3A = tpu.sem_alloc : memref<!tpu.dma_semaphore, #tpu.memory_space<semaphore_mem>>
      %dma_start3A = arith.constant 0 : i32
      %dma_start3A_35 = tpu.memref_slice %arg9[%add3A_16, %dma_start3A] : memref<10112x128xf32, #tpu.memory_space<vmem_shared>> -> memref<128x128xf32, #tpu.memory_space<vmem_shared>>
      %dma_start3A_36 = arith.constant 0 : i32
      %dma_start3A_37 = tpu.memref_slice %arg9[%add3A_16, %dma_start3A_36] : memref<10112x128xf32, #tpu.memory_space<vmem_shared>> -> memref<128x128xf32, #tpu.memory_space<vmem_shared>>
      tpu.enqueue_dma source(%arg8 : memref<128x128xf32, #tpu.memory_space<vmem>>) target(%dma_start3A_37 : memref<128x128xf32, #tpu.memory_space<vmem_shared>>) target_semaphore(%run_scoped3A : memref<!tpu.dma_semaphore, #tpu.memory_space<semaphore_mem>>)
      %dma_wait3A = arith.constant 0 : i32
      %dma_wait3A_38 = tpu.memref_slice %arg9[%add3A_16, %dma_wait3A] : memref<10112x128xf32, #tpu.memory_space<vmem_shared>> -> memref<128x128xf32, #tpu.memory_space<vmem_shared>>
      %dma_wait3A_39 = arith.constant 0 : i32
      %dma_wait3A_40 = tpu.memref_slice %arg9[%add3A_16, %dma_wait3A_39] : memref<10112x128xf32, #tpu.memory_space<vmem_shared>> -> memref<128x128xf32, #tpu.memory_space<vmem_shared>>
      tpu.wait_dma2 semaphore(%run_scoped3A : memref<!tpu.dma_semaphore, #tpu.memory_space<semaphore_mem>>) src(%arg8 : memref<128x128xf32, #tpu.memory_space<vmem>>) dst(%dma_wait3A_40 : memref<128x128xf32, #tpu.memory_space<vmem_shared>>)
      tpu.yield
    }) : () -> ()
    %add3A_17 = arith.constant 512 : i32
    %add3A_18 = arith.addi %mul3A_8, %add3A_17 : i32
    "tpu.region"() ({
      %run_scoped3A = tpu.sem_alloc : memref<!tpu.dma_semaphore, #tpu.memory_space<semaphore_mem>>
      %dma_start3A = arith.constant 0 : i32
      %dma_start3A_35 = arith.constant 0 : i32
      %dma_start3A_36 = tpu.memref_slice %arg8[%dma_start3A, %dma_start3A_35] : memref<128x128xf32, #tpu.memory_space<vmem>> -> memref<120x128xf32, #tpu.memory_space<vmem>>
      %dma_start3A_37 = arith.constant 0 : i32
      %dma_start3A_38 = tpu.memref_slice %arg9[%add3A_18, %dma_start3A_37] : memref<10112x128xf32, #tpu.memory_space<vmem_shared>> -> memref<120x128xf32, #tpu.memory_space<vmem_shared>>
      %dma_start3A_39 = arith.constant 0 : i32
      %dma_start3A_40 = tpu.memref_slice %arg9[%add3A_18, %dma_start3A_39] : memref<10112x128xf32, #tpu.memory_space<vmem_shared>> -> memref<120x128xf32, #tpu.memory_space<vmem_shared>>
      %dma_start3A_41 = arith.constant 0 : i32
      %dma_start3A_42 = arith.constant 0 : i32
      %dma_start3A_43 = tpu.memref_slice %arg8[%dma_start3A_41, %dma_start3A_42] : memref<128x128xf32, #tpu.memory_space<vmem>> -> memref<120x128xf32, #tpu.memory_space<vmem>>
      tpu.enqueue_dma source(%dma_start3A_43 : memref<120x128xf32, #tpu.memory_space<vmem>>) target(%dma_start3A_40 : memref<120x128xf32, #tpu.memory_space<vmem_shared>>) target_semaphore(%run_scoped3A : memref<!tpu.dma_semaphore, #tpu.memory_space<semaphore_mem>>)
      %dma_wait3A = arith.constant 0 : i32
      %dma_wait3A_44 = arith.constant 0 : i32
      %dma_wait3A_45 = tpu.memref_slice %arg8[%dma_wait3A, %dma_wait3A_44] : memref<128x128xf32, #tpu.memory_space<vmem>> -> memref<120x128xf32, #tpu.memory_space<vmem>>
      %dma_wait3A_46 = arith.constant 0 : i32
      %dma_wait3A_47 = tpu.memref_slice %arg9[%add3A_18, %dma_wait3A_46] : memref<10112x128xf32, #tpu.memory_space<vmem_shared>> -> memref<120x128xf32, #tpu.memory_space<vmem_shared>>
      %dma_wait3A_48 = arith.constant 0 : i32
      %dma_wait3A_49 = tpu.memref_slice %arg9[%add3A_18, %dma_wait3A_48] : memref<10112x128xf32, #tpu.memory_space<vmem_shared>> -> memref<120x128xf32, #tpu.memory_space<vmem_shared>>
      %dma_wait3A_50 = arith.constant 0 : i32
      %dma_wait3A_51 = arith.constant 0 : i32
      %dma_wait3A_52 = tpu.memref_slice %arg8[%dma_wait3A_50, %dma_wait3A_51] : memref<128x128xf32, #tpu.memory_space<vmem>> -> memref<120x128xf32, #tpu.memory_space<vmem>>
      tpu.wait_dma2 semaphore(%run_scoped3A : memref<!tpu.dma_semaphore, #tpu.memory_space<semaphore_mem>>) src(%dma_wait3A_52 : memref<120x128xf32, #tpu.memory_space<vmem>>) dst(%dma_wait3A_49 : memref<120x128xf32, #tpu.memory_space<vmem_shared>>)
      tpu.yield
    }) : () -> ()
    "tpu.region"() ({
      %run_scoped3A = tpu.sem_alloc : memref<!tpu.dma_semaphore, #tpu.memory_space<semaphore_mem>>
      %dma_start3A = arith.constant 0 : i32
      %dma_start3A_35 = arith.constant 0 : i32
      %dma_start3A_36 = tpu.memref_slice %arg2[%add3A, %dma_start3A, %dma_start3A_35] : memref<32x100x128xi32, #tpu.memory_space<hbm>> -> memref<1x100x128xi32, #tpu.memory_space<hbm>>
      %dma_start3A_37 = tpu.memref_squeeze %dma_start3A_36 : memref<1x100x128xi32, #tpu.memory_space<hbm>> -> memref<100x128xi32, #tpu.memory_space<hbm>>
      %dma_start3A_38 = arith.constant 0 : i32
      %dma_start3A_39 = arith.constant 0 : i32
      %dma_start3A_40 = tpu.memref_slice %arg2[%add3A, %dma_start3A_38, %dma_start3A_39] : memref<32x100x128xi32, #tpu.memory_space<hbm>> -> memref<1x100x128xi32, #tpu.memory_space<hbm>>
      %dma_start3A_41 = tpu.memref_squeeze %dma_start3A_40 : memref<1x100x128xi32, #tpu.memory_space<hbm>> -> memref<100x128xi32, #tpu.memory_space<hbm>>
      tpu.enqueue_dma source(%dma_start3A_41 : memref<100x128xi32, #tpu.memory_space<hbm>>) target(%arg6 : memref<100x128xi32, #tpu.memory_space<vmem>>) target_semaphore(%run_scoped3A : memref<!tpu.dma_semaphore, #tpu.memory_space<semaphore_mem>>)
      %dma_wait3A = arith.constant 0 : i32
      %dma_wait3A_42 = arith.constant 0 : i32
      %dma_wait3A_43 = tpu.memref_slice %arg2[%add3A, %dma_wait3A, %dma_wait3A_42] : memref<32x100x128xi32, #tpu.memory_space<hbm>> -> memref<1x100x128xi32, #tpu.memory_space<hbm>>
      %dma_wait3A_44 = tpu.memref_squeeze %dma_wait3A_43 : memref<1x100x128xi32, #tpu.memory_space<hbm>> -> memref<100x128xi32, #tpu.memory_space<hbm>>
      %dma_wait3A_45 = arith.constant 0 : i32
      %dma_wait3A_46 = arith.constant 0 : i32
      %dma_wait3A_47 = tpu.memref_slice %arg2[%add3A, %dma_wait3A_45, %dma_wait3A_46] : memref<32x100x128xi32, #tpu.memory_space<hbm>> -> memref<1x100x128xi32, #tpu.memory_space<hbm>>
      %dma_wait3A_48 = tpu.memref_squeeze %dma_wait3A_47 : memref<1x100x128xi32, #tpu.memory_space<hbm>> -> memref<100x128xi32, #tpu.memory_space<hbm>>
      tpu.wait_dma2 semaphore(%run_scoped3A : memref<!tpu.dma_semaphore, #tpu.memory_space<semaphore_mem>>) src(%dma_wait3A_48 : memref<100x128xi32, #tpu.memory_space<hbm>>) dst(%arg6 : memref<100x128xi32, #tpu.memory_space<vmem>>)
      tpu.yield
    }) : () -> ()
    "tpu.region"() ({
      %run_scoped3A = tpu.sem_alloc : memref<!tpu.dma_semaphore, #tpu.memory_space<semaphore_mem>>
      %dma_start3A = arith.constant 0 : i32
      %dma_start3A_35 = arith.constant 0 : i32
      %dma_start3A_36 = tpu.memref_slice %arg3[%add3A, %dma_start3A, %dma_start3A_35] : memref<32x100x128xi32, #tpu.memory_space<hbm>> -> memref<1x100x128xi32, #tpu.memory_space<hbm>>
      %dma_start3A_37 = tpu.memref_squeeze %dma_start3A_36 : memref<1x100x128xi32, #tpu.memory_space<hbm>> -> memref<100x128xi32, #tpu.memory_space<hbm>>
      %dma_start3A_38 = arith.constant 0 : i32
      %dma_start3A_39 = arith.constant 0 : i32
      %dma_start3A_40 = tpu.memref_slice %arg3[%add3A, %dma_start3A_38, %dma_start3A_39] : memref<32x100x128xi32, #tpu.memory_space<hbm>> -> memref<1x100x128xi32, #tpu.memory_space<hbm>>
      %dma_start3A_41 = tpu.memref_squeeze %dma_start3A_40 : memref<1x100x128xi32, #tpu.memory_space<hbm>> -> memref<100x128xi32, #tpu.memory_space<hbm>>
      tpu.enqueue_dma source(%dma_start3A_41 : memref<100x128xi32, #tpu.memory_space<hbm>>) target(%arg7 : memref<100x128xi32, #tpu.memory_space<vmem>>) target_semaphore(%run_scoped3A : memref<!tpu.dma_semaphore, #tpu.memory_space<semaphore_mem>>)
      %dma_wait3A = arith.constant 0 : i32
      %dma_wait3A_42 = arith.constant 0 : i32
      %dma_wait3A_43 = tpu.memref_slice %arg3[%add3A, %dma_wait3A, %dma_wait3A_42] : memref<32x100x128xi32, #tpu.memory_space<hbm>> -> memref<1x100x128xi32, #tpu.memory_space<hbm>>
      %dma_wait3A_44 = tpu.memref_squeeze %dma_wait3A_43 : memref<1x100x128xi32, #tpu.memory_space<hbm>> -> memref<100x128xi32, #tpu.memory_space<hbm>>
      %dma_wait3A_45 = arith.constant 0 : i32
      %dma_wait3A_46 = arith.constant 0 : i32
      %dma_wait3A_47 = tpu.memref_slice %arg3[%add3A, %dma_wait3A_45, %dma_wait3A_46] : memref<32x100x128xi32, #tpu.memory_space<hbm>> -> memref<1x100x128xi32, #tpu.memory_space<hbm>>
      %dma_wait3A_48 = tpu.memref_squeeze %dma_wait3A_47 : memref<1x100x128xi32, #tpu.memory_space<hbm>> -> memref<100x128xi32, #tpu.memory_space<hbm>>
      tpu.wait_dma2 semaphore(%run_scoped3A : memref<!tpu.dma_semaphore, #tpu.memory_space<semaphore_mem>>) src(%dma_wait3A_48 : memref<100x128xi32, #tpu.memory_space<hbm>>) dst(%arg7 : memref<100x128xi32, #tpu.memory_space<vmem>>)
      tpu.yield
    }) : () -> ()
    %barrier3A = arith.constant 0 : index
    tpu.barrier barrier_id(%barrier3A)
    %eq3A = arith.constant 0 : i32
    %eq3A_19 = arith.cmpi eq, %arg0, %eq3A : i32
    %jit3A = arith.constant 100 : i32
    %jit3A_20 = arith.constant 57 : i32
    %select_n3A = arith.select %eq3A_19, %jit3A, %jit3A_20 : i32
    %while3A = arith.constant 0 : i32
    %while3A_21 = arith.constant 0 : i32
    %while3A_22 = arith.subi %select_n3A, %while3A_21 : i32
    %while3A_23 = arith.addi %while3A_21, %while3A_22 : i32
    %while3A_24 = arith.constant 1 : i32
    %while3A_25 = arith.divsi %while3A_22, %while3A_24 : i32
    %while3A_26 = arith.muli %while3A_25, %while3A_24 : i32
    %while3A_27 = arith.addi %while3A_21, %while3A_26 : i32
    %while3A_28 = arith.constant 1 : i32
    scf.for %while3A_35 = %while3A_21 to %while3A_27 step %while3A_28  : i32 {
      %dma_start3A = arith.constant 0 : i32
      %dma_start3A_36 = tpu.memref_slice %arg6[%while3A_35, %dma_start3A] : memref<100x128xi32, #tpu.memory_space<vmem>> -> memref<1x128xi32, #tpu.memory_space<vmem>>
      %dma_start3A_37 = tpu.memref_squeeze %dma_start3A_36 : memref<1x128xi32, #tpu.memory_space<vmem>> -> memref<128xi32, #tpu.memory_space<vmem>>
      %dma_start3A_38 = arith.constant 0 : i32
      %dma_start3A_39 = arith.constant 0 : i32
      %dma_start3A_40 = tpu.memref_slice %arg4[%dma_start3A_38, %dma_start3A_39] : memref<10112x128xf32, #tpu.memory_space<hbm>> -> memref<10112x128xf32, #tpu.memory_space<hbm>>
      tpu.enqueue_indirect_dma source(%dma_start3A_40 : memref<10112x128xf32, #tpu.memory_space<hbm>>) target(%arg8 : memref<128x128xf32, #tpu.memory_space<vmem>>) offsets(%dma_start3A_37 : memref<128xi32, #tpu.memory_space<vmem>>) semaphore(%arg10 : memref<!tpu.dma_semaphore, #tpu.memory_space<semaphore_mem>>)
      %dma_wait3A = arith.constant 0 : i32
      %dma_wait3A_41 = tpu.memref_slice %arg6[%while3A_35, %dma_wait3A] : memref<100x128xi32, #tpu.memory_space<vmem>> -> memref<1x128xi32, #tpu.memory_space<vmem>>
      %dma_wait3A_42 = tpu.memref_squeeze %dma_wait3A_41 : memref<1x128xi32, #tpu.memory_space<vmem>> -> memref<128xi32, #tpu.memory_space<vmem>>
      %dma_wait3A_43 = arith.constant 0 : i32
      %dma_wait3A_44 = arith.constant 0 : i32
      %dma_wait3A_45 = tpu.memref_slice %arg4[%dma_wait3A_43, %dma_wait3A_44] : memref<10112x128xf32, #tpu.memory_space<hbm>> -> memref<10112x128xf32, #tpu.memory_space<hbm>>
      tpu.wait_indirect_dma semaphore(%arg10 : memref<!tpu.dma_semaphore, #tpu.memory_space<semaphore_mem>>) src(%dma_wait3A_45 : memref<10112x128xf32, #tpu.memory_space<hbm>>) dst(%arg8 : memref<128x128xf32, #tpu.memory_space<vmem>>)
      "tpu.region"() ({
        %run_scoped3A = tpu.sem_alloc : memref<!tpu.dma_semaphore, #tpu.memory_space<semaphore_mem>>
        %dma_start3A_46 = arith.constant 0 : i32
        %dma_start3A_47 = tpu.memref_slice %arg7[%while3A_35, %dma_start3A_46] : memref<100x128xi32, #tpu.memory_space<vmem>> -> memref<1x128xi32, #tpu.memory_space<vmem>>
        %dma_start3A_48 = tpu.memref_squeeze %dma_start3A_47 : memref<1x128xi32, #tpu.memory_space<vmem>> -> memref<128xi32, #tpu.memory_space<vmem>>
        %dma_start3A_49 = arith.constant 0 : i32
        %dma_start3A_50 = arith.constant 0 : i32
        %dma_start3A_51 = tpu.memref_slice %arg9[%dma_start3A_49, %dma_start3A_50] : memref<10112x128xf32, #tpu.memory_space<vmem_shared>> -> memref<10112x128xf32, #tpu.memory_space<vmem_shared>>
        tpu.enqueue_indirect_dma source(%arg8 : memref<128x128xf32, #tpu.memory_space<vmem>>) target(%dma_start3A_51 : memref<10112x128xf32, #tpu.memory_space<vmem_shared>>) offsets(%dma_start3A_48 : memref<128xi32, #tpu.memory_space<vmem>>) semaphore(%run_scoped3A : memref<!tpu.dma_semaphore, #tpu.memory_space<semaphore_mem>>) {add = true}
        %dma_wait3A_52 = arith.constant 0 : i32
        %dma_wait3A_53 = tpu.memref_slice %arg7[%while3A_35, %dma_wait3A_52] : memref<100x128xi32, #tpu.memory_space<vmem>> -> memref<1x128xi32, #tpu.memory_space<vmem>>
        %dma_wait3A_54 = tpu.memref_squeeze %dma_wait3A_53 : memref<1x128xi32, #tpu.memory_space<vmem>> -> memref<128xi32, #tpu.memory_space<vmem>>
        %dma_wait3A_55 = arith.constant 0 : i32
        %dma_wait3A_56 = arith.constant 0 : i32
        %dma_wait3A_57 = tpu.memref_slice %arg9[%dma_wait3A_55, %dma_wait3A_56] : memref<10112x128xf32, #tpu.memory_space<vmem_shared>> -> memref<10112x128xf32, #tpu.memory_space<vmem_shared>>
        tpu.wait_indirect_dma semaphore(%run_scoped3A : memref<!tpu.dma_semaphore, #tpu.memory_space<semaphore_mem>>) src(%arg8 : memref<128x128xf32, #tpu.memory_space<vmem>>) dst(%dma_wait3A_57 : memref<10112x128xf32, #tpu.memory_space<vmem_shared>>)
        tpu.yield
      }) : () -> ()
    }
    %while3A_29 = arith.constant 1 : i32
    scf.for %while3A_35 = %while3A_27 to %while3A_23 step %while3A_29  : i32 {
      %dma_start3A = arith.constant 0 : i32
      %dma_start3A_36 = tpu.memref_slice %arg6[%while3A_35, %dma_start3A] : memref<100x128xi32, #tpu.memory_space<vmem>> -> memref<1x128xi32, #tpu.memory_space<vmem>>
      %dma_start3A_37 = tpu.memref_squeeze %dma_start3A_36 : memref<1x128xi32, #tpu.memory_space<vmem>> -> memref<128xi32, #tpu.memory_space<vmem>>
      %dma_start3A_38 = arith.constant 0 : i32
      %dma_start3A_39 = arith.constant 0 : i32
      %dma_start3A_40 = tpu.memref_slice %arg4[%dma_start3A_38, %dma_start3A_39] : memref<10112x128xf32, #tpu.memory_space<hbm>> -> memref<10112x128xf32, #tpu.memory_space<hbm>>
      tpu.enqueue_indirect_dma source(%dma_start3A_40 : memref<10112x128xf32, #tpu.memory_space<hbm>>) target(%arg8 : memref<128x128xf32, #tpu.memory_space<vmem>>) offsets(%dma_start3A_37 : memref<128xi32, #tpu.memory_space<vmem>>) semaphore(%arg10 : memref<!tpu.dma_semaphore, #tpu.memory_space<semaphore_mem>>)
      %dma_wait3A = arith.constant 0 : i32
      %dma_wait3A_41 = tpu.memref_slice %arg6[%while3A_35, %dma_wait3A] : memref<100x128xi32, #tpu.memory_space<vmem>> -> memref<1x128xi32, #tpu.memory_space<vmem>>
      %dma_wait3A_42 = tpu.memref_squeeze %dma_wait3A_41 : memref<1x128xi32, #tpu.memory_space<vmem>> -> memref<128xi32, #tpu.memory_space<vmem>>
      %dma_wait3A_43 = arith.constant 0 : i32
      %dma_wait3A_44 = arith.constant 0 : i32
      %dma_wait3A_45 = tpu.memref_slice %arg4[%dma_wait3A_43, %dma_wait3A_44] : memref<10112x128xf32, #tpu.memory_space<hbm>> -> memref<10112x128xf32, #tpu.memory_space<hbm>>
      tpu.wait_indirect_dma semaphore(%arg10 : memref<!tpu.dma_semaphore, #tpu.memory_space<semaphore_mem>>) src(%dma_wait3A_45 : memref<10112x128xf32, #tpu.memory_space<hbm>>) dst(%arg8 : memref<128x128xf32, #tpu.memory_space<vmem>>)
      "tpu.region"() ({
        %run_scoped3A = tpu.sem_alloc : memref<!tpu.dma_semaphore, #tpu.memory_space<semaphore_mem>>
        %dma_start3A_46 = arith.constant 0 : i32
        %dma_start3A_47 = tpu.memref_slice %arg7[%while3A_35, %dma_start3A_46] : memref<100x128xi32, #tpu.memory_space<vmem>> -> memref<1x128xi32, #tpu.memory_space<vmem>>
        %dma_start3A_48 = tpu.memref_squeeze %dma_start3A_47 : memref<1x128xi32, #tpu.memory_space<vmem>> -> memref<128xi32, #tpu.memory_space<vmem>>
        %dma_start3A_49 = arith.constant 0 : i32
        %dma_start3A_50 = arith.constant 0 : i32
        %dma_start3A_51 = tpu.memref_slice %arg9[%dma_start3A_49, %dma_start3A_50] : memref<10112x128xf32, #tpu.memory_space<vmem_shared>> -> memref<10112x128xf32, #tpu.memory_space<vmem_shared>>
        tpu.enqueue_indirect_dma source(%arg8 : memref<128x128xf32, #tpu.memory_space<vmem>>) target(%dma_start3A_51 : memref<10112x128xf32, #tpu.memory_space<vmem_shared>>) offsets(%dma_start3A_48 : memref<128xi32, #tpu.memory_space<vmem>>) semaphore(%run_scoped3A : memref<!tpu.dma_semaphore, #tpu.memory_space<semaphore_mem>>) {add = true}
        %dma_wait3A_52 = arith.constant 0 : i32
        %dma_wait3A_53 = tpu.memref_slice %arg7[%while3A_35, %dma_wait3A_52] : memref<100x128xi32, #tpu.memory_space<vmem>> -> memref<1x128xi32, #tpu.memory_space<vmem>>
        %dma_wait3A_54 = tpu.memref_squeeze %dma_wait3A_53 : memref<1x128xi32, #tpu.memory_space<vmem>> -> memref<128xi32, #tpu.memory_space<vmem>>
        %dma_wait3A_55 = arith.constant 0 : i32
        %dma_wait3A_56 = arith.constant 0 : i32
        %dma_wait3A_57 = tpu.memref_slice %arg9[%dma_wait3A_55, %dma_wait3A_56] : memref<10112x128xf32, #tpu.memory_space<vmem_shared>> -> memref<10112x128xf32, #tpu.memory_space<vmem_shared>>
        tpu.wait_indirect_dma semaphore(%run_scoped3A : memref<!tpu.dma_semaphore, #tpu.memory_space<semaphore_mem>>) src(%arg8 : memref<128x128xf32, #tpu.memory_space<vmem>>) dst(%dma_wait3A_57 : memref<10112x128xf32, #tpu.memory_space<vmem_shared>>)
        tpu.yield
      }) : () -> ()
    }
    %barrier3A_30 = arith.constant 0 : index
    tpu.barrier barrier_id(%barrier3A_30)
    %mul3A_31 = arith.constant 632 : i32
    %mul3A_32 = arith.muli %arg1, %mul3A_31 : i32
    %mul3A_33 = arith.constant 632 : i32
    %mul3A_34 = arith.muli %arg1, %mul3A_33 : i32
    "tpu.region"() ({
      %run_scoped3A = tpu.sem_alloc : memref<!tpu.dma_semaphore, #tpu.memory_space<semaphore_mem>>
      %dma_start3A = arith.constant 0 : i32
      %dma_start3A_35 = tpu.memref_slice %arg5[%arg0, %mul3A_34, %dma_start3A] : memref<2x10112x128xf32, #tpu.memory_space<hbm>> -> memref<1x632x128xf32, #tpu.memory_space<hbm>>
      %dma_start3A_36 = tpu.memref_squeeze %dma_start3A_35 : memref<1x632x128xf32, #tpu.memory_space<hbm>> -> memref<632x128xf32, #tpu.memory_space<hbm>>
      %dma_start3A_37 = arith.constant 0 : i32
      %dma_start3A_38 = tpu.memref_slice %arg9[%mul3A_32, %dma_start3A_37] : memref<10112x128xf32, #tpu.memory_space<vmem_shared>> -> memref<632x128xf32, #tpu.memory_space<vmem_shared>>
      tpu.enqueue_dma source(%dma_start3A_38 : memref<632x128xf32, #tpu.memory_space<vmem_shared>>) target(%dma_start3A_36 : memref<632x128xf32, #tpu.memory_space<hbm>>) target_semaphore(%run_scoped3A : memref<!tpu.dma_semaphore, #tpu.memory_space<semaphore_mem>>)
      %dma_wait3A = arith.constant 0 : i32
      %dma_wait3A_39 = tpu.memref_slice %arg5[%arg0, %mul3A_34, %dma_wait3A] : memref<2x10112x128xf32, #tpu.memory_space<hbm>> -> memref<1x632x128xf32, #tpu.memory_space<hbm>>
      %dma_wait3A_40 = tpu.memref_squeeze %dma_wait3A_39 : memref<1x632x128xf32, #tpu.memory_space<hbm>> -> memref<632x128xf32, #tpu.memory_space<hbm>>
      %dma_wait3A_41 = arith.constant 0 : i32
      %dma_wait3A_42 = tpu.memref_slice %arg9[%mul3A_32, %dma_wait3A_41] : memref<10112x128xf32, #tpu.memory_space<vmem_shared>> -> memref<632x128xf32, #tpu.memory_space<vmem_shared>>
      tpu.wait_dma2 semaphore(%run_scoped3A : memref<!tpu.dma_semaphore, #tpu.memory_space<semaphore_mem>>) src(%dma_wait3A_42 : memref<632x128xf32, #tpu.memory_space<vmem_shared>>) dst(%dma_wait3A_40 : memref<632x128xf32, #tpu.memory_space<hbm>>)
      tpu.yield
    }) : () -> ()
    return
  }
}

#map = affine_map<(d0, d1) -> (0, 0, 0)>
#map1 = affine_map<(d0, d1) -> (0, 0)>
module attributes {stable_mosaic.version = 14 : i64} {
  func.func @sc_agg(%arg0: i32, %arg1: i32, %arg2: memref<32x100x128xi32, #tpu.memory_space<hbm>>, %arg3: memref<32x100x128xi32, #tpu.memory_space<hbm>>, %arg4: memref<10112x128xf32, #tpu.memory_space<hbm>>, %arg5: memref<2x10112x128xf32, #tpu.memory_space<hbm>>, %arg6: memref<100x128xi32, #tpu.memory_space<vmem>>, %arg7: memref<100x128xi32, #tpu.memory_space<vmem>>, %arg8: memref<128x128xf32, #tpu.memory_space<vmem>>, %arg9: memref<10112x128xf32, #tpu.memory_space<vmem_shared>>, %arg10: memref<!tpu.dma_semaphore, #tpu.memory_space<semaphore_mem>>) attributes {dimension_semantics = [#tpu.dimension_semantics<core_parallel>, #tpu.dimension_semantics<subcore_parallel>], iteration_bounds = array<i64: 2, 16>, scalar_prefetch = 0 : i64, scratch_operands = 5 : i64, tpu.core_type = #tpu.core_type<sc_vector_subcore>, window_params = [{transform_indices = #map}, {transform_indices = #map}, {transform_indices = #map1}, {transform_indices = #map}]} {
    %mul3A = arith.constant 16 : i32
    %mul3A_0 = arith.muli %arg0, %mul3A : i32
    %add3A = arith.addi %mul3A_0, %arg1 : i32
    %broadcast_in_dim3A = arith.constant 0.000000e+00 : f32
    %broadcast_in_dim3A_1 = vector.broadcast %broadcast_in_dim3A : f32 to vector<16xf32>
    %scan3A = arith.constant 0 : i32
    %scan3A_2 = arith.constant 0 : i32
    %scan3A_3 = arith.constant 128 : i32
    %scan3A_4 = arith.addi %scan3A_2, %scan3A_3 : i32
    %scan3A_5 = arith.constant 1 : i32
    scf.for %scan3A_35 = %scan3A_2 to %scan3A_4 step %scan3A_5  : i32 {
      %scan3A_36 = arith.constant 0 : i32
      %scan3A_37 = arith.constant 8 : i32
      %scan3A_38 = arith.addi %scan3A_36, %scan3A_37 : i32
      %scan3A_39 = arith.constant 1 : i32
      scf.for %scan3A_41 = %scan3A_36 to %scan3A_38 step %scan3A_39  : i32 {
        %mul3A_42 = arith.constant 16 : i32
        %mul3A_43 = arith.muli %scan3A_41, %mul3A_42 : i32
        %swap3A = arith.index_cast %scan3A_35 : i32 to index
        %swap3A_44 = arith.index_cast %mul3A_43 : i32 to index
        %swap3A_45 = tpu.vector_load %arg8[%swap3A, %swap3A_44] {strides = array<i32>} : memref<128x128xf32, #tpu.memory_space<vmem>>, vector<1x16xf32>,
        %swap3A_46 = vector.shape_cast %swap3A_45 : vector<1x16xf32> to vector<16xf32>
        %swap3A_47 = vector.shape_cast %broadcast_in_dim3A_1 : vector<16xf32> to vector<1x16xf32>
        tpu.vector_store %arg8[%swap3A, %swap3A_44], %swap3A_47 {strides = array<i32>} : memref<128x128xf32, #tpu.memory_space<vmem>>, vector<1x16xf32>,
      }
      %scan3A_40 = arith.constant 8 : i32
    }
    %scan3A_6 = arith.constant 128 : i32
    %mul3A_7 = arith.constant 632 : i32
    %mul3A_8 = arith.muli %arg1, %mul3A_7 : i32
    %add3A_9 = arith.constant 0 : i32
    %add3A_10 = arith.addi %mul3A_8, %add3A_9 : i32
    "tpu.region"() ({
      %run_scoped3A = tpu.sem_alloc : memref<!tpu.dma_semaphore, #tpu.memory_space<semaphore_mem>>
      %dma_start3A = arith.constant 0 : i32
      %dma_start3A_35 = tpu.memref_slice %arg9[%add3A_10, %dma_start3A] : memref<10112x128xf32, #tpu.memory_space<vmem_shared>> -> memref<128x128xf32, #tpu.memory_space<vmem_shared>>
      %dma_start3A_36 = arith.constant 0 : i32
      %dma_start3A_37 = tpu.memref_slice %arg9[%add3A_10, %dma_start3A_36] : memref<10112x128xf32, #tpu.memory_space<vmem_shared>> -> memref<128x128xf32, #tpu.memory_space<vmem_shared>>
      tpu.enqueue_dma source(%arg8 : memref<128x128xf32, #tpu.memory_space<vmem>>) target(%dma_start3A_37 : memref<128x128xf32, #tpu.memory_space<vmem_shared>>) target_semaphore(%run_scoped3A : memref<!tpu.dma_semaphore, #tpu.memory_space<semaphore_mem>>)
      %dma_wait3A = arith.constant 0 : i32
      %dma_wait3A_38 = tpu.memref_slice %arg9[%add3A_10, %dma_wait3A] : memref<10112x128xf32, #tpu.memory_space<vmem_shared>> -> memref<128x128xf32, #tpu.memory_space<vmem_shared>>
      %dma_wait3A_39 = arith.constant 0 : i32
      %dma_wait3A_40 = tpu.memref_slice %arg9[%add3A_10, %dma_wait3A_39] : memref<10112x128xf32, #tpu.memory_space<vmem_shared>> -> memref<128x128xf32, #tpu.memory_space<vmem_shared>>
      tpu.wait_dma2 semaphore(%run_scoped3A : memref<!tpu.dma_semaphore, #tpu.memory_space<semaphore_mem>>) src(%arg8 : memref<128x128xf32, #tpu.memory_space<vmem>>) dst(%dma_wait3A_40 : memref<128x128xf32, #tpu.memory_space<vmem_shared>>)
      tpu.yield
    }) : () -> ()
    %add3A_11 = arith.constant 128 : i32
    %add3A_12 = arith.addi %mul3A_8, %add3A_11 : i32
    "tpu.region"() ({
      %run_scoped3A = tpu.sem_alloc : memref<!tpu.dma_semaphore, #tpu.memory_space<semaphore_mem>>
      %dma_start3A = arith.constant 0 : i32
      %dma_start3A_35 = tpu.memref_slice %arg9[%add3A_12, %dma_start3A] : memref<10112x128xf32, #tpu.memory_space<vmem_shared>> -> memref<128x128xf32, #tpu.memory_space<vmem_shared>>
      %dma_start3A_36 = arith.constant 0 : i32
      %dma_start3A_37 = tpu.memref_slice %arg9[%add3A_12, %dma_start3A_36] : memref<10112x128xf32, #tpu.memory_space<vmem_shared>> -> memref<128x128xf32, #tpu.memory_space<vmem_shared>>
      tpu.enqueue_dma source(%arg8 : memref<128x128xf32, #tpu.memory_space<vmem>>) target(%dma_start3A_37 : memref<128x128xf32, #tpu.memory_space<vmem_shared>>) target_semaphore(%run_scoped3A : memref<!tpu.dma_semaphore, #tpu.memory_space<semaphore_mem>>)
      %dma_wait3A = arith.constant 0 : i32
      %dma_wait3A_38 = tpu.memref_slice %arg9[%add3A_12, %dma_wait3A] : memref<10112x128xf32, #tpu.memory_space<vmem_shared>> -> memref<128x128xf32, #tpu.memory_space<vmem_shared>>
      %dma_wait3A_39 = arith.constant 0 : i32
      %dma_wait3A_40 = tpu.memref_slice %arg9[%add3A_12, %dma_wait3A_39] : memref<10112x128xf32, #tpu.memory_space<vmem_shared>> -> memref<128x128xf32, #tpu.memory_space<vmem_shared>>
      tpu.wait_dma2 semaphore(%run_scoped3A : memref<!tpu.dma_semaphore, #tpu.memory_space<semaphore_mem>>) src(%arg8 : memref<128x128xf32, #tpu.memory_space<vmem>>) dst(%dma_wait3A_40 : memref<128x128xf32, #tpu.memory_space<vmem_shared>>)
      tpu.yield
    }) : () -> ()
    %add3A_13 = arith.constant 256 : i32
    %add3A_14 = arith.addi %mul3A_8, %add3A_13 : i32
    "tpu.region"() ({
      %run_scoped3A = tpu.sem_alloc : memref<!tpu.dma_semaphore, #tpu.memory_space<semaphore_mem>>
      %dma_start3A = arith.constant 0 : i32
      %dma_start3A_35 = tpu.memref_slice %arg9[%add3A_14, %dma_start3A] : memref<10112x128xf32, #tpu.memory_space<vmem_shared>> -> memref<128x128xf32, #tpu.memory_space<vmem_shared>>
      %dma_start3A_36 = arith.constant 0 : i32
      %dma_start3A_37 = tpu.memref_slice %arg9[%add3A_14, %dma_start3A_36] : memref<10112x128xf32, #tpu.memory_space<vmem_shared>> -> memref<128x128xf32, #tpu.memory_space<vmem_shared>>
      tpu.enqueue_dma source(%arg8 : memref<128x128xf32, #tpu.memory_space<vmem>>) target(%dma_start3A_37 : memref<128x128xf32, #tpu.memory_space<vmem_shared>>) target_semaphore(%run_scoped3A : memref<!tpu.dma_semaphore, #tpu.memory_space<semaphore_mem>>)
      %dma_wait3A = arith.constant 0 : i32
      %dma_wait3A_38 = tpu.memref_slice %arg9[%add3A_14, %dma_wait3A] : memref<10112x128xf32, #tpu.memory_space<vmem_shared>> -> memref<128x128xf32, #tpu.memory_space<vmem_shared>>
      %dma_wait3A_39 = arith.constant 0 : i32
      %dma_wait3A_40 = tpu.memref_slice %arg9[%add3A_14, %dma_wait3A_39] : memref<10112x128xf32, #tpu.memory_space<vmem_shared>> -> memref<128x128xf32, #tpu.memory_space<vmem_shared>>
      tpu.wait_dma2 semaphore(%run_scoped3A : memref<!tpu.dma_semaphore, #tpu.memory_space<semaphore_mem>>) src(%arg8 : memref<128x128xf32, #tpu.memory_space<vmem>>) dst(%dma_wait3A_40 : memref<128x128xf32, #tpu.memory_space<vmem_shared>>)
      tpu.yield
    }) : () -> ()
    %add3A_15 = arith.constant 384 : i32
    %add3A_16 = arith.addi %mul3A_8, %add3A_15 : i32
    "tpu.region"() ({
      %run_scoped3A = tpu.sem_alloc : memref<!tpu.dma_semaphore, #tpu.memory_space<semaphore_mem>>
      %dma_start3A = arith.constant 0 : i32
      %dma_start3A_35 = tpu.memref_slice %arg9[%add3A_16, %dma_start3A] : memref<10112x128xf32, #tpu.memory_space<vmem_shared>> -> memref<128x128xf32, #tpu.memory_space<vmem_shared>>
      %dma_start3A_36 = arith.constant 0 : i32
      %dma_start3A_37 = tpu.memref_slice %arg9[%add3A_16, %dma_start3A_36] : memref<10112x128xf32, #tpu.memory_space<vmem_shared>> -> memref<128x128xf32, #tpu.memory_space<vmem_shared>>
      tpu.enqueue_dma source(%arg8 : memref<128x128xf32, #tpu.memory_space<vmem>>) target(%dma_start3A_37 : memref<128x128xf32, #tpu.memory_space<vmem_shared>>) target_semaphore(%run_scoped3A : memref<!tpu.dma_semaphore, #tpu.memory_space<semaphore_mem>>)
      %dma_wait3A = arith.constant 0 : i32
      %dma_wait3A_38 = tpu.memref_slice %arg9[%add3A_16, %dma_wait3A] : memref<10112x128xf32, #tpu.memory_space<vmem_shared>> -> memref<128x128xf32, #tpu.memory_space<vmem_shared>>
      %dma_wait3A_39 = arith.constant 0 : i32
      %dma_wait3A_40 = tpu.memref_slice %arg9[%add3A_16, %dma_wait3A_39] : memref<10112x128xf32, #tpu.memory_space<vmem_shared>> -> memref<128x128xf32, #tpu.memory_space<vmem_shared>>
      tpu.wait_dma2 semaphore(%run_scoped3A : memref<!tpu.dma_semaphore, #tpu.memory_space<semaphore_mem>>) src(%arg8 : memref<128x128xf32, #tpu.memory_space<vmem>>) dst(%dma_wait3A_40 : memref<128x128xf32, #tpu.memory_space<vmem_shared>>)
      tpu.yield
    }) : () -> ()
    %add3A_17 = arith.constant 512 : i32
    %add3A_18 = arith.addi %mul3A_8, %add3A_17 : i32
    "tpu.region"() ({
      %run_scoped3A = tpu.sem_alloc : memref<!tpu.dma_semaphore, #tpu.memory_space<semaphore_mem>>
      %dma_start3A = arith.constant 0 : i32
      %dma_start3A_35 = arith.constant 0 : i32
      %dma_start3A_36 = tpu.memref_slice %arg8[%dma_start3A, %dma_start3A_35] : memref<128x128xf32, #tpu.memory_space<vmem>> -> memref<120x128xf32, #tpu.memory_space<vmem>>
      %dma_start3A_37 = arith.constant 0 : i32
      %dma_start3A_38 = tpu.memref_slice %arg9[%add3A_18, %dma_start3A_37] : memref<10112x128xf32, #tpu.memory_space<vmem_shared>> -> memref<120x128xf32, #tpu.memory_space<vmem_shared>>
      %dma_start3A_39 = arith.constant 0 : i32
      %dma_start3A_40 = tpu.memref_slice %arg9[%add3A_18, %dma_start3A_39] : memref<10112x128xf32, #tpu.memory_space<vmem_shared>> -> memref<120x128xf32, #tpu.memory_space<vmem_shared>>
      %dma_start3A_41 = arith.constant 0 : i32
      %dma_start3A_42 = arith.constant 0 : i32
      %dma_start3A_43 = tpu.memref_slice %arg8[%dma_start3A_41, %dma_start3A_42] : memref<128x128xf32, #tpu.memory_space<vmem>> -> memref<120x128xf32, #tpu.memory_space<vmem>>
      tpu.enqueue_dma source(%dma_start3A_43 : memref<120x128xf32, #tpu.memory_space<vmem>>) target(%dma_start3A_40 : memref<120x128xf32, #tpu.memory_space<vmem_shared>>) target_semaphore(%run_scoped3A : memref<!tpu.dma_semaphore, #tpu.memory_space<semaphore_mem>>)
      %dma_wait3A = arith.constant 0 : i32
      %dma_wait3A_44 = arith.constant 0 : i32
      %dma_wait3A_45 = tpu.memref_slice %arg8[%dma_wait3A, %dma_wait3A_44] : memref<128x128xf32, #tpu.memory_space<vmem>> -> memref<120x128xf32, #tpu.memory_space<vmem>>
      %dma_wait3A_46 = arith.constant 0 : i32
      %dma_wait3A_47 = tpu.memref_slice %arg9[%add3A_18, %dma_wait3A_46] : memref<10112x128xf32, #tpu.memory_space<vmem_shared>> -> memref<120x128xf32, #tpu.memory_space<vmem_shared>>
      %dma_wait3A_48 = arith.constant 0 : i32
      %dma_wait3A_49 = tpu.memref_slice %arg9[%add3A_18, %dma_wait3A_48] : memref<10112x128xf32, #tpu.memory_space<vmem_shared>> -> memref<120x128xf32, #tpu.memory_space<vmem_shared>>
      %dma_wait3A_50 = arith.constant 0 : i32
      %dma_wait3A_51 = arith.constant 0 : i32
      %dma_wait3A_52 = tpu.memref_slice %arg8[%dma_wait3A_50, %dma_wait3A_51] : memref<128x128xf32, #tpu.memory_space<vmem>> -> memref<120x128xf32, #tpu.memory_space<vmem>>
      tpu.wait_dma2 semaphore(%run_scoped3A : memref<!tpu.dma_semaphore, #tpu.memory_space<semaphore_mem>>) src(%dma_wait3A_52 : memref<120x128xf32, #tpu.memory_space<vmem>>) dst(%dma_wait3A_49 : memref<120x128xf32, #tpu.memory_space<vmem_shared>>)
      tpu.yield
    }) : () -> ()
    "tpu.region"() ({
      %run_scoped3A = tpu.sem_alloc : memref<!tpu.dma_semaphore, #tpu.memory_space<semaphore_mem>>
      %dma_start3A = arith.constant 0 : i32
      %dma_start3A_35 = arith.constant 0 : i32
      %dma_start3A_36 = tpu.memref_slice %arg2[%add3A, %dma_start3A, %dma_start3A_35] : memref<32x100x128xi32, #tpu.memory_space<hbm>> -> memref<1x100x128xi32, #tpu.memory_space<hbm>>
      %dma_start3A_37 = tpu.memref_squeeze %dma_start3A_36 : memref<1x100x128xi32, #tpu.memory_space<hbm>> -> memref<100x128xi32, #tpu.memory_space<hbm>>
      %dma_start3A_38 = arith.constant 0 : i32
      %dma_start3A_39 = arith.constant 0 : i32
      %dma_start3A_40 = tpu.memref_slice %arg2[%add3A, %dma_start3A_38, %dma_start3A_39] : memref<32x100x128xi32, #tpu.memory_space<hbm>> -> memref<1x100x128xi32, #tpu.memory_space<hbm>>
      %dma_start3A_41 = tpu.memref_squeeze %dma_start3A_40 : memref<1x100x128xi32, #tpu.memory_space<hbm>> -> memref<100x128xi32, #tpu.memory_space<hbm>>
      tpu.enqueue_dma source(%dma_start3A_41 : memref<100x128xi32, #tpu.memory_space<hbm>>) target(%arg6 : memref<100x128xi32, #tpu.memory_space<vmem>>) target_semaphore(%run_scoped3A : memref<!tpu.dma_semaphore, #tpu.memory_space<semaphore_mem>>)
      %dma_wait3A = arith.constant 0 : i32
      %dma_wait3A_42 = arith.constant 0 : i32
      %dma_wait3A_43 = tpu.memref_slice %arg2[%add3A, %dma_wait3A, %dma_wait3A_42] : memref<32x100x128xi32, #tpu.memory_space<hbm>> -> memref<1x100x128xi32, #tpu.memory_space<hbm>>
      %dma_wait3A_44 = tpu.memref_squeeze %dma_wait3A_43 : memref<1x100x128xi32, #tpu.memory_space<hbm>> -> memref<100x128xi32, #tpu.memory_space<hbm>>
      %dma_wait3A_45 = arith.constant 0 : i32
      %dma_wait3A_46 = arith.constant 0 : i32
      %dma_wait3A_47 = tpu.memref_slice %arg2[%add3A, %dma_wait3A_45, %dma_wait3A_46] : memref<32x100x128xi32, #tpu.memory_space<hbm>> -> memref<1x100x128xi32, #tpu.memory_space<hbm>>
      %dma_wait3A_48 = tpu.memref_squeeze %dma_wait3A_47 : memref<1x100x128xi32, #tpu.memory_space<hbm>> -> memref<100x128xi32, #tpu.memory_space<hbm>>
      tpu.wait_dma2 semaphore(%run_scoped3A : memref<!tpu.dma_semaphore, #tpu.memory_space<semaphore_mem>>) src(%dma_wait3A_48 : memref<100x128xi32, #tpu.memory_space<hbm>>) dst(%arg6 : memref<100x128xi32, #tpu.memory_space<vmem>>)
      tpu.yield
    }) : () -> ()
    "tpu.region"() ({
      %run_scoped3A = tpu.sem_alloc : memref<!tpu.dma_semaphore, #tpu.memory_space<semaphore_mem>>
      %dma_start3A = arith.constant 0 : i32
      %dma_start3A_35 = arith.constant 0 : i32
      %dma_start3A_36 = tpu.memref_slice %arg3[%add3A, %dma_start3A, %dma_start3A_35] : memref<32x100x128xi32, #tpu.memory_space<hbm>> -> memref<1x100x128xi32, #tpu.memory_space<hbm>>
      %dma_start3A_37 = tpu.memref_squeeze %dma_start3A_36 : memref<1x100x128xi32, #tpu.memory_space<hbm>> -> memref<100x128xi32, #tpu.memory_space<hbm>>
      %dma_start3A_38 = arith.constant 0 : i32
      %dma_start3A_39 = arith.constant 0 : i32
      %dma_start3A_40 = tpu.memref_slice %arg3[%add3A, %dma_start3A_38, %dma_start3A_39] : memref<32x100x128xi32, #tpu.memory_space<hbm>> -> memref<1x100x128xi32, #tpu.memory_space<hbm>>
      %dma_start3A_41 = tpu.memref_squeeze %dma_start3A_40 : memref<1x100x128xi32, #tpu.memory_space<hbm>> -> memref<100x128xi32, #tpu.memory_space<hbm>>
      tpu.enqueue_dma source(%dma_start3A_41 : memref<100x128xi32, #tpu.memory_space<hbm>>) target(%arg7 : memref<100x128xi32, #tpu.memory_space<vmem>>) target_semaphore(%run_scoped3A : memref<!tpu.dma_semaphore, #tpu.memory_space<semaphore_mem>>)
      %dma_wait3A = arith.constant 0 : i32
      %dma_wait3A_42 = arith.constant 0 : i32
      %dma_wait3A_43 = tpu.memref_slice %arg3[%add3A, %dma_wait3A, %dma_wait3A_42] : memref<32x100x128xi32, #tpu.memory_space<hbm>> -> memref<1x100x128xi32, #tpu.memory_space<hbm>>
      %dma_wait3A_44 = tpu.memref_squeeze %dma_wait3A_43 : memref<1x100x128xi32, #tpu.memory_space<hbm>> -> memref<100x128xi32, #tpu.memory_space<hbm>>
      %dma_wait3A_45 = arith.constant 0 : i32
      %dma_wait3A_46 = arith.constant 0 : i32
      %dma_wait3A_47 = tpu.memref_slice %arg3[%add3A, %dma_wait3A_45, %dma_wait3A_46] : memref<32x100x128xi32, #tpu.memory_space<hbm>> -> memref<1x100x128xi32, #tpu.memory_space<hbm>>
      %dma_wait3A_48 = tpu.memref_squeeze %dma_wait3A_47 : memref<1x100x128xi32, #tpu.memory_space<hbm>> -> memref<100x128xi32, #tpu.memory_space<hbm>>
      tpu.wait_dma2 semaphore(%run_scoped3A : memref<!tpu.dma_semaphore, #tpu.memory_space<semaphore_mem>>) src(%dma_wait3A_48 : memref<100x128xi32, #tpu.memory_space<hbm>>) dst(%arg7 : memref<100x128xi32, #tpu.memory_space<vmem>>)
      tpu.yield
    }) : () -> ()
    %barrier3A = arith.constant 0 : index
    tpu.barrier barrier_id(%barrier3A)
    %eq3A = arith.constant 0 : i32
    %eq3A_19 = arith.cmpi eq, %arg0, %eq3A : i32
    %jit3A = arith.constant 100 : i32
    %jit3A_20 = arith.constant 57 : i32
    %select_n3A = arith.select %eq3A_19, %jit3A, %jit3A_20 : i32
    %while3A = arith.constant 0 : i32
    %while3A_21 = arith.constant 0 : i32
    %while3A_22 = arith.subi %select_n3A, %while3A_21 : i32
    %while3A_23 = arith.addi %while3A_21, %while3A_22 : i32
    %while3A_24 = arith.constant 1 : i32
    %while3A_25 = arith.divsi %while3A_22, %while3A_24 : i32
    %while3A_26 = arith.muli %while3A_25, %while3A_24 : i32
    %while3A_27 = arith.addi %while3A_21, %while3A_26 : i32
    %while3A_28 = arith.constant 1 : i32
    scf.for %while3A_35 = %while3A_21 to %while3A_27 step %while3A_28  : i32 {
      %dma_start3A = arith.constant 0 : i32
      %dma_start3A_36 = tpu.memref_slice %arg6[%while3A_35, %dma_start3A] : memref<100x128xi32, #tpu.memory_space<vmem>> -> memref<1x128xi32, #tpu.memory_space<vmem>>
      %dma_start3A_37 = tpu.memref_squeeze %dma_start3A_36 : memref<1x128xi32, #tpu.memory_space<vmem>> -> memref<128xi32, #tpu.memory_space<vmem>>
      %dma_start3A_38 = arith.constant 0 : i32
      %dma_start3A_39 = arith.constant 0 : i32
      %dma_start3A_40 = tpu.memref_slice %arg4[%dma_start3A_38, %dma_start3A_39] : memref<10112x128xf32, #tpu.memory_space<hbm>> -> memref<10112x128xf32, #tpu.memory_space<hbm>>
      tpu.enqueue_indirect_dma source(%dma_start3A_40 : memref<10112x128xf32, #tpu.memory_space<hbm>>) target(%arg8 : memref<128x128xf32, #tpu.memory_space<vmem>>) offsets(%dma_start3A_37 : memref<128xi32, #tpu.memory_space<vmem>>) semaphore(%arg10 : memref<!tpu.dma_semaphore, #tpu.memory_space<semaphore_mem>>)
      %dma_wait3A = arith.constant 0 : i32
      %dma_wait3A_41 = tpu.memref_slice %arg6[%while3A_35, %dma_wait3A] : memref<100x128xi32, #tpu.memory_space<vmem>> -> memref<1x128xi32, #tpu.memory_space<vmem>>
      %dma_wait3A_42 = tpu.memref_squeeze %dma_wait3A_41 : memref<1x128xi32, #tpu.memory_space<vmem>> -> memref<128xi32, #tpu.memory_space<vmem>>
      %dma_wait3A_43 = arith.constant 0 : i32
      %dma_wait3A_44 = arith.constant 0 : i32
      %dma_wait3A_45 = tpu.memref_slice %arg4[%dma_wait3A_43, %dma_wait3A_44] : memref<10112x128xf32, #tpu.memory_space<hbm>> -> memref<10112x128xf32, #tpu.memory_space<hbm>>
      tpu.wait_indirect_dma semaphore(%arg10 : memref<!tpu.dma_semaphore, #tpu.memory_space<semaphore_mem>>) src(%dma_wait3A_45 : memref<10112x128xf32, #tpu.memory_space<hbm>>) dst(%arg8 : memref<128x128xf32, #tpu.memory_space<vmem>>)
      "tpu.region"() ({
        %run_scoped3A = tpu.sem_alloc : memref<!tpu.dma_semaphore, #tpu.memory_space<semaphore_mem>>
        %dma_start3A_46 = arith.constant 0 : i32
        %dma_start3A_47 = tpu.memref_slice %arg7[%while3A_35, %dma_start3A_46] : memref<100x128xi32, #tpu.memory_space<vmem>> -> memref<1x128xi32, #tpu.memory_space<vmem>>
        %dma_start3A_48 = tpu.memref_squeeze %dma_start3A_47 : memref<1x128xi32, #tpu.memory_space<vmem>> -> memref<128xi32, #tpu.memory_space<vmem>>
        %dma_start3A_49 = arith.constant 0 : i32
        %dma_start3A_50 = arith.constant 0 : i32
        %dma_start3A_51 = tpu.memref_slice %arg9[%dma_start3A_49, %dma_start3A_50] : memref<10112x128xf32, #tpu.memory_space<vmem_shared>> -> memref<10112x128xf32, #tpu.memory_space<vmem_shared>>
        tpu.enqueue_indirect_dma source(%arg8 : memref<128x128xf32, #tpu.memory_space<vmem>>) target(%dma_start3A_51 : memref<10112x128xf32, #tpu.memory_space<vmem_shared>>) offsets(%dma_start3A_48 : memref<128xi32, #tpu.memory_space<vmem>>) semaphore(%run_scoped3A : memref<!tpu.dma_semaphore, #tpu.memory_space<semaphore_mem>>) {add = true}
        %dma_wait3A_52 = arith.constant 0 : i32
        %dma_wait3A_53 = tpu.memref_slice %arg7[%while3A_35, %dma_wait3A_52] : memref<100x128xi32, #tpu.memory_space<vmem>> -> memref<1x128xi32, #tpu.memory_space<vmem>>
        %dma_wait3A_54 = tpu.memref_squeeze %dma_wait3A_53 : memref<1x128xi32, #tpu.memory_space<vmem>> -> memref<128xi32, #tpu.memory_space<vmem>>
        %dma_wait3A_55 = arith.constant 0 : i32
        %dma_wait3A_56 = arith.constant 0 : i32
        %dma_wait3A_57 = tpu.memref_slice %arg9[%dma_wait3A_55, %dma_wait3A_56] : memref<10112x128xf32, #tpu.memory_space<vmem_shared>> -> memref<10112x128xf32, #tpu.memory_space<vmem_shared>>
        tpu.wait_indirect_dma semaphore(%run_scoped3A : memref<!tpu.dma_semaphore, #tpu.memory_space<semaphore_mem>>) src(%arg8 : memref<128x128xf32, #tpu.memory_space<vmem>>) dst(%dma_wait3A_57 : memref<10112x128xf32, #tpu.memory_space<vmem_shared>>)
        tpu.yield
      }) : () -> ()
    }
    %while3A_29 = arith.constant 1 : i32
    scf.for %while3A_35 = %while3A_27 to %while3A_23 step %while3A_29  : i32 {
      %dma_start3A = arith.constant 0 : i32
      %dma_start3A_36 = tpu.memref_slice %arg6[%while3A_35, %dma_start3A] : memref<100x128xi32, #tpu.memory_space<vmem>> -> memref<1x128xi32, #tpu.memory_space<vmem>>
      %dma_start3A_37 = tpu.memref_squeeze %dma_start3A_36 : memref<1x128xi32, #tpu.memory_space<vmem>> -> memref<128xi32, #tpu.memory_space<vmem>>
      %dma_start3A_38 = arith.constant 0 : i32
      %dma_start3A_39 = arith.constant 0 : i32
      %dma_start3A_40 = tpu.memref_slice %arg4[%dma_start3A_38, %dma_start3A_39] : memref<10112x128xf32, #tpu.memory_space<hbm>> -> memref<10112x128xf32, #tpu.memory_space<hbm>>
      tpu.enqueue_indirect_dma source(%dma_start3A_40 : memref<10112x128xf32, #tpu.memory_space<hbm>>) target(%arg8 : memref<128x128xf32, #tpu.memory_space<vmem>>) offsets(%dma_start3A_37 : memref<128xi32, #tpu.memory_space<vmem>>) semaphore(%arg10 : memref<!tpu.dma_semaphore, #tpu.memory_space<semaphore_mem>>)
      %dma_wait3A = arith.constant 0 : i32
      %dma_wait3A_41 = tpu.memref_slice %arg6[%while3A_35, %dma_wait3A] : memref<100x128xi32, #tpu.memory_space<vmem>> -> memref<1x128xi32, #tpu.memory_space<vmem>>
      %dma_wait3A_42 = tpu.memref_squeeze %dma_wait3A_41 : memref<1x128xi32, #tpu.memory_space<vmem>> -> memref<128xi32, #tpu.memory_space<vmem>>
      %dma_wait3A_43 = arith.constant 0 : i32
      %dma_wait3A_44 = arith.constant 0 : i32
      %dma_wait3A_45 = tpu.memref_slice %arg4[%dma_wait3A_43, %dma_wait3A_44] : memref<10112x128xf32, #tpu.memory_space<hbm>> -> memref<10112x128xf32, #tpu.memory_space<hbm>>
      tpu.wait_indirect_dma semaphore(%arg10 : memref<!tpu.dma_semaphore, #tpu.memory_space<semaphore_mem>>) src(%dma_wait3A_45 : memref<10112x128xf32, #tpu.memory_space<hbm>>) dst(%arg8 : memref<128x128xf32, #tpu.memory_space<vmem>>)
      "tpu.region"() ({
        %run_scoped3A = tpu.sem_alloc : memref<!tpu.dma_semaphore, #tpu.memory_space<semaphore_mem>>
        %dma_start3A_46 = arith.constant 0 : i32
        %dma_start3A_47 = tpu.memref_slice %arg7[%while3A_35, %dma_start3A_46] : memref<100x128xi32, #tpu.memory_space<vmem>> -> memref<1x128xi32, #tpu.memory_space<vmem>>
        %dma_start3A_48 = tpu.memref_squeeze %dma_start3A_47 : memref<1x128xi32, #tpu.memory_space<vmem>> -> memref<128xi32, #tpu.memory_space<vmem>>
        %dma_start3A_49 = arith.constant 0 : i32
        %dma_start3A_50 = arith.constant 0 : i32
        %dma_start3A_51 = tpu.memref_slice %arg9[%dma_start3A_49, %dma_start3A_50] : memref<10112x128xf32, #tpu.memory_space<vmem_shared>> -> memref<10112x128xf32, #tpu.memory_space<vmem_shared>>
        tpu.enqueue_indirect_dma source(%arg8 : memref<128x128xf32, #tpu.memory_space<vmem>>) target(%dma_start3A_51 : memref<10112x128xf32, #tpu.memory_space<vmem_shared>>) offsets(%dma_start3A_48 : memref<128xi32, #tpu.memory_space<vmem>>) semaphore(%run_scoped3A : memref<!tpu.dma_semaphore, #tpu.memory_space<semaphore_mem>>) {add = true}
        %dma_wait3A_52 = arith.constant 0 : i32
        %dma_wait3A_53 = tpu.memref_slice %arg7[%while3A_35, %dma_wait3A_52] : memref<100x128xi32, #tpu.memory_space<vmem>> -> memref<1x128xi32, #tpu.memory_space<vmem>>
        %dma_wait3A_54 = tpu.memref_squeeze %dma_wait3A_53 : memref<1x128xi32, #tpu.memory_space<vmem>> -> memref<128xi32, #tpu.memory_space<vmem>>
        %dma_wait3A_55 = arith.constant 0 : i32
        %dma_wait3A_56 = arith.constant 0 : i32
        %dma_wait3A_57 = tpu.memref_slice %arg9[%dma_wait3A_55, %dma_wait3A_56] : memref<10112x128xf32, #tpu.memory_space<vmem_shared>> -> memref<10112x128xf32, #tpu.memory_space<vmem_shared>>
        tpu.wait_indirect_dma semaphore(%run_scoped3A : memref<!tpu.dma_semaphore, #tpu.memory_space<semaphore_mem>>) src(%arg8 : memref<128x128xf32, #tpu.memory_space<vmem>>) dst(%dma_wait3A_57 : memref<10112x128xf32, #tpu.memory_space<vmem_shared>>)
        tpu.yield
      }) : () -> ()
    }
    %barrier3A_30 = arith.constant 0 : index
    tpu.barrier barrier_id(%barrier3A_30)
    %mul3A_31 = arith.constant 632 : i32
    %mul3A_32 = arith.muli %arg1, %mul3A_31 : i32
    %mul3A_33 = arith.constant 632 : i32
    %mul3A_34 = arith.muli %arg1, %mul3A_33 : i32
    "tpu.region"() ({
      %run_scoped3A = tpu.sem_alloc : memref<!tpu.dma_semaphore, #tpu.memory_space<semaphore_mem>>
      %dma_start3A = arith.constant 0 : i32
      %dma_start3A_35 = tpu.memref_slice %arg5[%arg0, %mul3A_34, %dma_start3A] : memref<2x10112x128xf32, #tpu.memory_space<hbm>> -> memref<1x632x128xf32, #tpu.memory_space<hbm>>
      %dma_start3A_36 = tpu.memref_squeeze %dma_start3A_35 : memref<1x632x128xf32, #tpu.memory_space<hbm>> -> memref<632x128xf32, #tpu.memory_space<hbm>>
      %dma_start3A_37 = arith.constant 0 : i32
      %dma_start3A_38 = tpu.memref_slice %arg9[%mul3A_32, %dma_start3A_37] : memref<10112x128xf32, #tpu.memory_space<vmem_shared>> -> memref<632x128xf32, #tpu.memory_space<vmem_shared>>
      tpu.enqueue_dma source(%dma_start3A_38 : memref<632x128xf32, #tpu.memory_space<vmem_shared>>) target(%dma_start3A_36 : memref<632x128xf32, #tpu.memory_space<hbm>>) target_semaphore(%run_scoped3A : memref<!tpu.dma_semaphore, #tpu.memory_space<semaphore_mem>>)
      %dma_wait3A = arith.constant 0 : i32
      %dma_wait3A_39 = tpu.memref_slice %arg5[%arg0, %mul3A_34, %dma_wait3A] : memref<2x10112x128xf32, #tpu.memory_space<hbm>> -> memref<1x632x128xf32, #tpu.memory_space<hbm>>
      %dma_wait3A_40 = tpu.memref_squeeze %dma_wait3A_39 : memref<1x632x128xf32, #tpu.memory_space<hbm>> -> memref<632x128xf32, #tpu.memory_space<hbm>>
      %dma_wait3A_41 = arith.constant 0 : i32
      %dma_wait3A_42 = tpu.memref_slice %arg9[%mul3A_32, %dma_wait3A_41] : memref<10112x128xf32, #tpu.memory_space<vmem_shared>> -> memref<632x128xf32, #tpu.memory_space<vmem_shared>>
      tpu.wait_dma2 semaphore(%run_scoped3A : memref<!tpu.dma_semaphore, #tpu.memory_space<semaphore_mem>>) src(%dma_wait3A_42 : memref<632x128xf32, #tpu.memory_space<vmem_shared>>) dst(%dma_wait3A_40 : memref<632x128xf32, #tpu.memory_space<hbm>>)
      tpu.yield
    }) : () -> ()
    return
  }
}

module attributes {stable_mosaic.version = 14 : i64} {
  func.func @_tc_pre(%arg0: memref<10000x128xf32, #tpu.memory_space<vmem>>, %arg1: memref<128x128xf32, #tpu.memory_space<vmem>>, %arg2: memref<128x128xf32, #tpu.memory_space<vmem>>, %arg3: memref<1x128xf32, #tpu.memory_space<vmem>>, %arg4: memref<10112x128xf32, #tpu.memory_space<vmem>>, %arg5: memref<10000x128xf32, #tpu.memory_space<vmem>>) attributes {dimension_semantics = [], scalar_prefetch = 0 : i64, scratch_operands = 0 : i64, tpu.core_type = #tpu.core_type<tc>} {
    %get3A = arith.constant 0 : index
    %get3A_0 = arith.constant 0 : index
    %get3A_1 = vector.load %arg0[%get3A, %get3A_0] : memref<10000x128xf32, #tpu.memory_space<vmem>>, vector<10000x128xf32>
    %get3A_2 = arith.constant 0 : index
    %get3A_3 = arith.constant 0 : index
    %get3A_4 = vector.load %arg1[%get3A_2, %get3A_3] : memref<128x128xf32, #tpu.memory_space<vmem>>, vector<128x128xf32>
    %dot_general3A = arith.constant dense<0.000000e+00> : vector<10000x128xf32>
    %dot_general3A_5 = tpu.matmul %get3A_1, %get3A_4, %dot_general3A {dimension_numbers = #tpu.dot_dimension_numbers<[1], [1], [0], [0], [0, 0, 1, 0], [], []>, transpose_lhs_hint = false} : vector<10000x128xf32>, vector<128x128xf32>, vector<10000x128xf32> -> vector<10000x128xf32>
    %swap3A = arith.constant 0 : index
    %swap3A_6 = arith.constant 0 : index
    %swap3A_7 = vector.load %arg4[%swap3A, %swap3A_6] : memref<10112x128xf32, #tpu.memory_space<vmem>>, vector<10000x128xf32>
    tpu.vector_store %arg4[%swap3A, %swap3A_6], %dot_general3A_5 {strides = array<i32>} : memref<10112x128xf32, #tpu.memory_space<vmem>>, vector<10000x128xf32>,
    %broadcast_in_dim3A = arith.constant 0.000000e+00 : f32
    %broadcast_in_dim3A_8 = vector.broadcast %broadcast_in_dim3A : f32 to vector<112x128xf32>
    %swap3A_9 = arith.constant 10000 : index
    %swap3A_10 = arith.constant 0 : index
    %swap3A_11 = vector.load %arg4[%swap3A_9, %swap3A_10] : memref<10112x128xf32, #tpu.memory_space<vmem>>, vector<112x128xf32>
    tpu.vector_store %arg4[%swap3A_9, %swap3A_10], %broadcast_in_dim3A_8 {strides = array<i32>} : memref<10112x128xf32, #tpu.memory_space<vmem>>, vector<112x128xf32>,
    %get3A_12 = arith.constant 0 : index
    %get3A_13 = arith.constant 0 : index
    %get3A_14 = vector.load %arg2[%get3A_12, %get3A_13] : memref<128x128xf32, #tpu.memory_space<vmem>>, vector<128x128xf32>
    %dot_general3A_15 = arith.constant dense<0.000000e+00> : vector<10000x128xf32>
    %dot_general3A_16 = tpu.matmul %get3A_1, %get3A_14, %dot_general3A_15 {dimension_numbers = #tpu.dot_dimension_numbers<[1], [1], [0], [0], [0, 0, 1, 0], [], []>, transpose_lhs_hint = false} : vector<10000x128xf32>, vector<128x128xf32>, vector<10000x128xf32> -> vector<10000x128xf32>
    %get3A_17 = arith.constant 0 : index
    %get3A_18 = arith.constant 0 : index
    %get3A_19 = vector.load %arg3[%get3A_17, %get3A_18] : memref<1x128xf32, #tpu.memory_space<vmem>>, vector<1x128xf32>
    %add3A = vector.broadcast %get3A_19 : vector<1x128xf32> to vector<10000x128xf32>
    %add3A_20 = arith.addf %dot_general3A_16, %add3A : vector<10000x128xf32>
    %swap3A_21 = arith.constant 0 : index
    %swap3A_22 = arith.constant 0 : index
    %swap3A_23 = vector.load %arg5[%swap3A_21, %swap3A_22] : memref<10000x128xf32, #tpu.memory_space<vmem>>, vector<10000x128xf32>
    tpu.vector_store %arg5[%swap3A_21, %swap3A_22], %add3A_20 {strides = array<i32>} : memref<10000x128xf32, #tpu.memory_space<vmem>>, vector<10000x128xf32>,
    return
  }
}

module attributes {stable_mosaic.version = 14 : i64} {
  func.func @_tc_mid(%arg0: memref<10000x128xf32, #tpu.memory_space<vmem>>, %arg1: memref<2x10112x128xf32, #tpu.memory_space<vmem>>, %arg2: memref<1x128xf32, #tpu.memory_space<vmem>>, %arg3: memref<1x128xf32, #tpu.memory_space<vmem>>, %arg4: memref<1x128xf32, #tpu.memory_space<vmem>>, %arg5: memref<128x128xf32, #tpu.memory_space<vmem>>, %arg6: memref<128x128xf32, #tpu.memory_space<vmem>>, %arg7: memref<1x128xf32, #tpu.memory_space<vmem>>, %arg8: memref<10112x128xf32, #tpu.memory_space<vmem>>, %arg9: memref<10000x128xf32, #tpu.memory_space<vmem>>) attributes {dimension_semantics = [], scalar_prefetch = 0 : i64, scratch_operands = 0 : i64, tpu.core_type = #tpu.core_type<tc>} {
    %get3A = arith.constant 0 : index
    %get3A_0 = arith.constant 0 : index
    %get3A_1 = vector.load %arg0[%get3A, %get3A_0] : memref<10000x128xf32, #tpu.memory_space<vmem>>, vector<10000x128xf32>
    %get3A_2 = arith.constant 0 : index
    %get3A_3 = arith.constant 0 : index
    %get3A_4 = arith.constant 0 : index
    %get3A_5 = vector.load %arg1[%get3A_2, %get3A_3, %get3A_4] : memref<2x10112x128xf32, #tpu.memory_space<vmem>>, vector<2x10112x128xf32>
    %get3A_6 = arith.constant 0 : index
    %get3A_7 = arith.constant 0 : index
    %get3A_8 = vector.load %arg2[%get3A_6, %get3A_7] : memref<1x128xf32, #tpu.memory_space<vmem>>, vector<1x128xf32>
    %get3A_9 = arith.constant 0 : index
    %get3A_10 = arith.constant 0 : index
    %get3A_11 = vector.load %arg3[%get3A_9, %get3A_10] : memref<1x128xf32, #tpu.memory_space<vmem>>, vector<1x128xf32>
    %get3A_12 = arith.constant 0 : index
    %get3A_13 = arith.constant 0 : index
    %get3A_14 = vector.load %arg4[%get3A_12, %get3A_13] : memref<1x128xf32, #tpu.memory_space<vmem>>, vector<1x128xf32>
    %slice3A = vector.extract_strided_slice %get3A_5 {offsets = [0, 0, 0], sizes = [1, 10000, 128], strides = [1, 1, 1]} : vector<2x10112x128xf32> to vector<1x10000x128xf32>
    %squeeze3A = vector.shape_cast %slice3A : vector<1x10000x128xf32> to vector<10000x128xf32>
    %slice3A_15 = vector.extract_strided_slice %get3A_5 {offsets = [1, 0, 0], sizes = [1, 10000, 128], strides = [1, 1, 1]} : vector<2x10112x128xf32> to vector<1x10000x128xf32>
    %squeeze3A_16 = vector.shape_cast %slice3A_15 : vector<1x10000x128xf32> to vector<10000x128xf32>
    %add3A = arith.addf %squeeze3A, %squeeze3A_16 : vector<10000x128xf32>
    %add3A_17 = arith.addf %get3A_1, %add3A : vector<10000x128xf32>
    %add3A_18 = vector.broadcast %get3A_8 : vector<1x128xf32> to vector<10000x128xf32>
    %add3A_19 = arith.addf %add3A_17, %add3A_18 : vector<10000x128xf32>
    %max3A = arith.constant 0.000000e+00 : f32
    %max3A_20 = vector.broadcast %max3A : f32 to vector<10000x128xf32>
    %max3A_21 = arith.maximumf %add3A_19, %max3A_20 : vector<10000x128xf32>
    %reduce_sum3A = arith.constant dense<0.000000e+00> : vector<128xf32>
    %reduce_sum3A_22 = vector.multi_reduction <add>, %max3A_21, %reduce_sum3A [0] : vector<10000x128xf32> to vector<128xf32>
    %broadcast_in_dim3A = vector.shape_cast %reduce_sum3A_22 : vector<128xf32> to vector<1x128xf32>
    %div3A = arith.constant 1.000000e+04 : f32
    %div3A_23 = vector.broadcast %div3A : f32 to vector<1x128xf32>
    %div3A_24 = arith.divf %broadcast_in_dim3A, %div3A_23 : vector<1x128xf32>
    %sub3A = vector.broadcast %div3A_24 : vector<1x128xf32> to vector<10000x128xf32>
    %sub3A_25 = arith.subf %max3A_21, %sub3A : vector<10000x128xf32>
    %integer_pow3A = arith.mulf %sub3A_25, %sub3A_25 : vector<10000x128xf32>
    %reduce_sum3A_26 = arith.constant dense<0.000000e+00> : vector<128xf32>
    %reduce_sum3A_27 = vector.multi_reduction <add>, %integer_pow3A, %reduce_sum3A_26 [0] : vector<10000x128xf32> to vector<128xf32>
    %broadcast_in_dim3A_28 = vector.shape_cast %reduce_sum3A_27 : vector<128xf32> to vector<1x128xf32>
    %div3A_29 = arith.constant 1.000000e+04 : f32
    %div3A_30 = vector.broadcast %div3A_29 : f32 to vector<1x128xf32>
    %div3A_31 = arith.divf %broadcast_in_dim3A_28, %div3A_30 : vector<1x128xf32>
    %sub3A_32 = vector.broadcast %div3A_24 : vector<1x128xf32> to vector<10000x128xf32>
    %sub3A_33 = arith.subf %max3A_21, %sub3A_32 : vector<10000x128xf32>
    %add3A_34 = arith.constant 9.99999974E-6 : f32
    %add3A_35 = vector.broadcast %add3A_34 : f32 to vector<1x128xf32>
    %add3A_36 = arith.addf %div3A_31, %add3A_35 : vector<1x128xf32>
    %rsqrt3A = math.rsqrt %add3A_36 : vector<1x128xf32>
    %mul3A = vector.broadcast %rsqrt3A : vector<1x128xf32> to vector<10000x128xf32>
    %mul3A_37 = arith.mulf %sub3A_33, %mul3A : vector<10000x128xf32>
    %mul3A_38 = vector.broadcast %get3A_11 : vector<1x128xf32> to vector<10000x128xf32>
    %mul3A_39 = arith.mulf %mul3A_37, %mul3A_38 : vector<10000x128xf32>
    %add3A_40 = vector.broadcast %get3A_14 : vector<1x128xf32> to vector<10000x128xf32>
    %add3A_41 = arith.addf %mul3A_39, %add3A_40 : vector<10000x128xf32>
    %get3A_42 = arith.constant 0 : index
    %get3A_43 = arith.constant 0 : index
    %get3A_44 = vector.load %arg5[%get3A_42, %get3A_43] : memref<128x128xf32, #tpu.memory_space<vmem>>, vector<128x128xf32>
    %dot_general3A = arith.constant dense<0.000000e+00> : vector<10000x128xf32>
    %dot_general3A_45 = tpu.matmul %add3A_41, %get3A_44, %dot_general3A {dimension_numbers = #tpu.dot_dimension_numbers<[1], [1], [0], [0], [0, 0, 1, 0], [], []>, transpose_lhs_hint = false} : vector<10000x128xf32>, vector<128x128xf32>, vector<10000x128xf32> -> vector<10000x128xf32>
    %swap3A = arith.constant 0 : index
    %swap3A_46 = arith.constant 0 : index
    %swap3A_47 = vector.load %arg8[%swap3A, %swap3A_46] : memref<10112x128xf32, #tpu.memory_space<vmem>>, vector<10000x128xf32>
    tpu.vector_store %arg8[%swap3A, %swap3A_46], %dot_general3A_45 {strides = array<i32>} : memref<10112x128xf32, #tpu.memory_space<vmem>>, vector<10000x128xf32>,
    %broadcast_in_dim3A_48 = arith.constant 0.000000e+00 : f32
    %broadcast_in_dim3A_49 = vector.broadcast %broadcast_in_dim3A_48 : f32 to vector<112x128xf32>
    %swap3A_50 = arith.constant 10000 : index
    %swap3A_51 = arith.constant 0 : index
    %swap3A_52 = vector.load %arg8[%swap3A_50, %swap3A_51] : memref<10112x128xf32, #tpu.memory_space<vmem>>, vector<112x128xf32>
    tpu.vector_store %arg8[%swap3A_50, %swap3A_51], %broadcast_in_dim3A_49 {strides = array<i32>} : memref<10112x128xf32, #tpu.memory_space<vmem>>, vector<112x128xf32>,
    %get3A_53 = arith.constant 0 : index
    %get3A_54 = arith.constant 0 : index
    %get3A_55 = vector.load %arg6[%get3A_53, %get3A_54] : memref<128x128xf32, #tpu.memory_space<vmem>>, vector<128x128xf32>
    %dot_general3A_56 = arith.constant dense<0.000000e+00> : vector<10000x128xf32>
    %dot_general3A_57 = tpu.matmul %add3A_41, %get3A_55, %dot_general3A_56 {dimension_numbers = #tpu.dot_dimension_numbers<[1], [1], [0], [0], [0, 0, 1, 0], [], []>, transpose_lhs_hint = false} : vector<10000x128xf32>, vector<128x128xf32>, vector<10000x128xf32> -> vector<10000x128xf32>
    %get3A_58 = arith.constant 0 : index
    %get3A_59 = arith.constant 0 : index
    %get3A_60 = vector.load %arg7[%get3A_58, %get3A_59] : memref<1x128xf32, #tpu.memory_space<vmem>>, vector<1x128xf32>
    %add3A_61 = vector.broadcast %get3A_60 : vector<1x128xf32> to vector<10000x128xf32>
    %add3A_62 = arith.addf %dot_general3A_57, %add3A_61 : vector<10000x128xf32>
    %swap3A_63 = arith.constant 0 : index
    %swap3A_64 = arith.constant 0 : index
    %swap3A_65 = vector.load %arg9[%swap3A_63, %swap3A_64] : memref<10000x128xf32, #tpu.memory_space<vmem>>, vector<10000x128xf32>
    tpu.vector_store %arg9[%swap3A_63, %swap3A_64], %add3A_62 {strides = array<i32>} : memref<10000x128xf32, #tpu.memory_space<vmem>>, vector<10000x128xf32>,
    return
  }
}

module attributes {stable_mosaic.version = 14 : i64} {
  func.func @_tc_post(%arg0: memref<10000x128xf32, #tpu.memory_space<vmem>>, %arg1: memref<2x10112x128xf32, #tpu.memory_space<vmem>>, %arg2: memref<1x128xf32, #tpu.memory_space<vmem>>, %arg3: memref<1x128xf32, #tpu.memory_space<vmem>>, %arg4: memref<1x128xf32, #tpu.memory_space<vmem>>, %arg5: memref<16x128xf32, #tpu.memory_space<vmem>>, %arg6: memref<1x16xf32, #tpu.memory_space<vmem>>, %arg7: memref<10000x16xf32, #tpu.memory_space<vmem>>) attributes {dimension_semantics = [], scalar_prefetch = 0 : i64, scratch_operands = 0 : i64, tpu.core_type = #tpu.core_type<tc>} {
    %get3A = arith.constant 0 : index
    %get3A_0 = arith.constant 0 : index
    %get3A_1 = vector.load %arg0[%get3A, %get3A_0] : memref<10000x128xf32, #tpu.memory_space<vmem>>, vector<10000x128xf32>
    %get3A_2 = arith.constant 0 : index
    %get3A_3 = arith.constant 0 : index
    %get3A_4 = arith.constant 0 : index
    %get3A_5 = vector.load %arg1[%get3A_2, %get3A_3, %get3A_4] : memref<2x10112x128xf32, #tpu.memory_space<vmem>>, vector<2x10112x128xf32>
    %get3A_6 = arith.constant 0 : index
    %get3A_7 = arith.constant 0 : index
    %get3A_8 = vector.load %arg2[%get3A_6, %get3A_7] : memref<1x128xf32, #tpu.memory_space<vmem>>, vector<1x128xf32>
    %get3A_9 = arith.constant 0 : index
    %get3A_10 = arith.constant 0 : index
    %get3A_11 = vector.load %arg3[%get3A_9, %get3A_10] : memref<1x128xf32, #tpu.memory_space<vmem>>, vector<1x128xf32>
    %get3A_12 = arith.constant 0 : index
    %get3A_13 = arith.constant 0 : index
    %get3A_14 = vector.load %arg4[%get3A_12, %get3A_13] : memref<1x128xf32, #tpu.memory_space<vmem>>, vector<1x128xf32>
    %slice3A = vector.extract_strided_slice %get3A_5 {offsets = [0, 0, 0], sizes = [1, 10000, 128], strides = [1, 1, 1]} : vector<2x10112x128xf32> to vector<1x10000x128xf32>
    %squeeze3A = vector.shape_cast %slice3A : vector<1x10000x128xf32> to vector<10000x128xf32>
    %slice3A_15 = vector.extract_strided_slice %get3A_5 {offsets = [1, 0, 0], sizes = [1, 10000, 128], strides = [1, 1, 1]} : vector<2x10112x128xf32> to vector<1x10000x128xf32>
    %squeeze3A_16 = vector.shape_cast %slice3A_15 : vector<1x10000x128xf32> to vector<10000x128xf32>
    %add3A = arith.addf %squeeze3A, %squeeze3A_16 : vector<10000x128xf32>
    %add3A_17 = arith.addf %get3A_1, %add3A : vector<10000x128xf32>
    %add3A_18 = vector.broadcast %get3A_8 : vector<1x128xf32> to vector<10000x128xf32>
    %add3A_19 = arith.addf %add3A_17, %add3A_18 : vector<10000x128xf32>
    %max3A = arith.constant 0.000000e+00 : f32
    %max3A_20 = vector.broadcast %max3A : f32 to vector<10000x128xf32>
    %max3A_21 = arith.maximumf %add3A_19, %max3A_20 : vector<10000x128xf32>
    %reduce_sum3A = arith.constant dense<0.000000e+00> : vector<128xf32>
    %reduce_sum3A_22 = vector.multi_reduction <add>, %max3A_21, %reduce_sum3A [0] : vector<10000x128xf32> to vector<128xf32>
    %broadcast_in_dim3A = vector.shape_cast %reduce_sum3A_22 : vector<128xf32> to vector<1x128xf32>
    %div3A = arith.constant 1.000000e+04 : f32
    %div3A_23 = vector.broadcast %div3A : f32 to vector<1x128xf32>
    %div3A_24 = arith.divf %broadcast_in_dim3A, %div3A_23 : vector<1x128xf32>
    %sub3A = vector.broadcast %div3A_24 : vector<1x128xf32> to vector<10000x128xf32>
    %sub3A_25 = arith.subf %max3A_21, %sub3A : vector<10000x128xf32>
    %integer_pow3A = arith.mulf %sub3A_25, %sub3A_25 : vector<10000x128xf32>
    %reduce_sum3A_26 = arith.constant dense<0.000000e+00> : vector<128xf32>
    %reduce_sum3A_27 = vector.multi_reduction <add>, %integer_pow3A, %reduce_sum3A_26 [0] : vector<10000x128xf32> to vector<128xf32>
    %broadcast_in_dim3A_28 = vector.shape_cast %reduce_sum3A_27 : vector<128xf32> to vector<1x128xf32>
    %div3A_29 = arith.constant 1.000000e+04 : f32
    %div3A_30 = vector.broadcast %div3A_29 : f32 to vector<1x128xf32>
    %div3A_31 = arith.divf %broadcast_in_dim3A_28, %div3A_30 : vector<1x128xf32>
    %sub3A_32 = vector.broadcast %div3A_24 : vector<1x128xf32> to vector<10000x128xf32>
    %sub3A_33 = arith.subf %max3A_21, %sub3A_32 : vector<10000x128xf32>
    %add3A_34 = arith.constant 9.99999974E-6 : f32
    %add3A_35 = vector.broadcast %add3A_34 : f32 to vector<1x128xf32>
    %add3A_36 = arith.addf %div3A_31, %add3A_35 : vector<1x128xf32>
    %rsqrt3A = math.rsqrt %add3A_36 : vector<1x128xf32>
    %mul3A = vector.broadcast %rsqrt3A : vector<1x128xf32> to vector<10000x128xf32>
    %mul3A_37 = arith.mulf %sub3A_33, %mul3A : vector<10000x128xf32>
    %mul3A_38 = vector.broadcast %get3A_11 : vector<1x128xf32> to vector<10000x128xf32>
    %mul3A_39 = arith.mulf %mul3A_37, %mul3A_38 : vector<10000x128xf32>
    %add3A_40 = vector.broadcast %get3A_14 : vector<1x128xf32> to vector<10000x128xf32>
    %add3A_41 = arith.addf %mul3A_39, %add3A_40 : vector<10000x128xf32>
    %get3A_42 = arith.constant 0 : index
    %get3A_43 = arith.constant 0 : index
    %get3A_44 = vector.load %arg5[%get3A_42, %get3A_43] : memref<16x128xf32, #tpu.memory_space<vmem>>, vector<16x128xf32>
    %dot_general3A = arith.constant dense<0.000000e+00> : vector<10000x16xf32>
    %dot_general3A_45 = tpu.matmul %add3A_41, %get3A_44, %dot_general3A {dimension_numbers = #tpu.dot_dimension_numbers<[1], [1], [0], [0], [0, 0, 1, 0], [], []>, transpose_lhs_hint = false} : vector<10000x128xf32>, vector<16x128xf32>, vector<10000x16xf32> -> vector<10000x16xf32>
    %get3A_46 = arith.constant 0 : index
    %get3A_47 = arith.constant 0 : index
    %get3A_48 = vector.load %arg6[%get3A_46, %get3A_47] : memref<1x16xf32, #tpu.memory_space<vmem>>, vector<1x16xf32>
    %add3A_49 = vector.broadcast %get3A_48 : vector<1x16xf32> to vector<10000x16xf32>
    %add3A_50 = arith.addf %dot_general3A_45, %add3A_49 : vector<10000x16xf32>
    %swap3A = arith.constant 0 : index
    %swap3A_51 = arith.constant 0 : index
    %swap3A_52 = vector.load %arg7[%swap3A, %swap3A_51] : memref<10000x16xf32, #tpu.memory_space<vmem>>, vector<10000x16xf32>
    tpu.vector_store %arg7[%swap3A, %swap3A_51], %add3A_50 {strides = array<i32>} : memref<10000x16xf32, #tpu.memory_space<vmem>>, vector<10000x16xf32>,
    return
  }
}

</mosaic_0001>

<sc_bundles>
// kernel: kernel.10.cloned.1.call-start
scs
__scs_entry_jumppad:
0x0: {  	(pc) =	sbr.rel $0x88, $3  }
0x1: {  	(tag) =	ssettag $0x0;
	lr =	simm.s32 $0x1  }
0x2: {  	[smem:$0x3F91] =	sst lr;
	_ =	strace $0xD0000000  }
0x3: {  	_ = 	snop  }
0x4: {  	_ = 	snop  }
0x5: {  	_ = 	snop  }
0x6: {  	_ = 	snop  }
0x7: {  	_ = 	snop  }
__scs_overlays_trampoline_lowered:
0x8: {  	[smem:$0x3FA0] =	sst s0  }
0x9: {  	[smem:$0x3FA1] =	sst s1  }
0xa: {  	[smem:$0x3FA2] =	sst s2  }
0xb: {  	[smem:$0x3FA3] =	sst s3  }
0xc: {  	[smem:$0x3FA4] =	sst s4  }
0xd: {  	[smem:$0x3FA5] =	sst s5  }
0xe: {  	[smem:$0x3FA6] =	sst s6  }
0xf: {  	[smem:$0x3FA7] =	sst s7  }
0x10: {  	[smem:$0x3FA8] =	sst s8  }
0x11: {  	[smem:$0x3FA9] =	sst s9;
	s0 =	simm.s32 @!p0 $0x0  }
0x12: {  	s1 =	sld [smem:$0x3F8F];
	s0 =	simm.s32 @p0 $0x1  }
0x13: {  	[smem:$0x3FAA] =	sst s0;
	s0 =	simm.s32 @!p1 $0x0  }
0x14: {  	s2 =	sld [smem:$0x3F8E];
	s0 =	simm.s32 @p1 $0x1  }
0x15: {  	[smem:$0x3FAB] =	sst s0;
	s0 =	simm.s32 @!p2 $0x0  }
0x16: {  	s3 =	sld [smem:$0x3FDB];
	s0 =	simm.s32 @p2 $0x1  }
0x17: {  	s4 =	simm.s32 $0x1BF5;
	[smem:$0x3FAD] =	sst s0  }
0x18: {  	s0 =	sld [smem:$0x3F90];
	_ =	swait.ge [sflag:s4], $0x0  }
0x19: {  	s7 =	sld [smem:$0x3F91]  }
0x1a: {  	s8 =	sadd.s32 $0xFFFFE003, lr  }
0x1b: {  	s9 =	sadd.s32 $0xFFFFFEF7, lr;
	s5 =	simm.s32 $0xFFFFFFFF;
	p2 =	slt.u32 s8, $0xFFFFF086  }
0x1c: {  	p1 =	slt.u32 s9, $0xF7A;
	s5 =	simm.s32 @!p2 $0x0  }
0x1d: {  	s5 =	simm.s32 @p1 $0x1;
	p0 =	seq.s32 s7, s2  }
0x1e: {  	s7 =	smul.u32 @!p0 $0xF7A, s2;
	p2 =	seq.s32 @!p0 s5, $0x0  }
0x1f: {  	s9 =	smul.u32 $0xF7A, s1;
	s8 =	simm.s32 @!p0 $0x1BF5;
	p2 =	por !p2, p0  }
0x20: {  	[sflag:s8] =	ssyncset.s32 @!p0 $0xFFFFF086;
	s6 =	sadd.s32 @!p0 s3, s7;
	s7 =	simm.s32 @!p0 $0x108  }
0x21: {  	s3 =	sadd.s32 s3, s9;
	s6 =	sadd.s32 @!p0 $0x88, s6;
	s7 =	simm.s32 @p2 $0x1082  }
0x22: {  	[simem:s7], [sflag:s8] =	dma.local @!p0 [hbm:s6], $0xF7A  }
0x23: {  	s9 =	sor.u32 $0xD0000000, s2;
	s6 =	simm.s32 $0x108;
	_ =	swait.ge @!p0 [sflag:s8], $0x0  }
0x24: {  	s3 =	sadd.s32 $0x88, s3;
	s6 =	simm.s32 @!p1 $0x1082;
	[sflag:s4] =	ssyncset.s32 $0xFFFFF086  }
0x25: {  	[simem:s6], [sflag:s4] =	dma.local [hbm:s3], $0xF7A  }
0x26: {  	[smem:$0x3F91] =	sst s1;
	(tag) =	ssettag s2;
	_ =	strace s9  }
0x27: {  	s1 =	sld [smem:$0x3FA1]  }
0x28: {  	s2 =	sld [smem:$0x3FA2]  }
0x29: {  	s4 =	sld [smem:$0x3FA4]  }
0x2a: {  	p0 =	seq.s32 s5, $0x0;
	s5 =	sld [smem:$0x3FA5]  }
0x2b: {  	s6 =	sld [smem:$0x3FA6]  }
0x2c: {  	s7 =	sld [smem:$0x3FA7]  }
0x2d: {  	s3 =	simm.s32 $0x108;
	s8 =	sld [smem:$0x3FA8]  }
0x2e: {  	s3 =	simm.s32 @!p0 $0x1082;
	s9 =	sld [smem:$0x3FA9]  }
0x2f: {  	lr =	sadd.s32 s0, s3;
	s0 =	sld [smem:$0x3FA0]  }
0x30: {  	s3 =	sld [smem:$0x3FA3]  }
0x31: {  	[smem:$0x3FAC] =	sst s10  }
0x32: {  	s10 =	sld [smem:$0x3FAA];
	_ =	sdelay $0x3  }
0x33: {  	p0 =	seq.s32 s10, $0x1;
	s10 =	sld [smem:$0x3FAC];
	_ =	sdelay $0x3  }
0x34: {  	[smem:$0x3FAC] =	sst s10  }
0x35: {  	s10 =	sld [smem:$0x3FAB];
	_ =	sdelay $0x3  }
0x36: {  	p1 =	seq.s32 s10, $0x1;
	s10 =	sld [smem:$0x3FAC];
	_ =	sdelay $0x3  }
0x37: {  	[smem:$0x3FAC] =	sst s10  }
0x38: {  	s10 =	sld [smem:$0x3FAD]  }
0x39: {  	_ = 	snop;
	(pc) =	sbr.ind lr, $3  }
0x3a: {  	_ = 	snop  }
0x3b: {  	_ = 	snop  }
0x3c: {  	p2 =	seq.s32 s10, $0x1;
	s10 =	sld [smem:$0x3FAC]  }
0x3d: {  	_ =	shalt  }
0x3e: {  	_ =	shalt  }
0x3f: {  	_ =	shalt  }
0x40: {  	_ =	shalt  }
0x41: {  	_ =	shalt  }
0x42: {  	_ =	shalt  }
0x43: {  	_ =	shalt  }
0x44: {  	_ =	shalt  }
0x45: {  	_ =	shalt  }
0x46: {  	_ =	shalt  }
0x47: {  	_ =	shalt  }
0x48: {  	_ =	shalt  }
0x49: {  	_ =	shalt  }
0x4a: {  	_ =	shalt  }
0x4b: {  	_ =	shalt  }
0x4c: {  	_ =	shalt  }
0x4d: {  	_ =	shalt  }
0x4e: {  	_ =	shalt  }
0x4f: {  	_ =	shalt  }
0x50: {  	_ =	shalt  }
0x51: {  	_ =	shalt  }
0x52: {  	_ =	shalt  }
0x53: {  	_ =	shalt  }
0x54: {  	_ =	shalt  }
0x55: {  	_ =	shalt  }
0x56: {  	_ =	shalt  }
0x57: {  	_ =	shalt  }
0x58: {  	_ =	shalt  }
0x59: {  	_ =	shalt  }
0x5a: {  	_ =	shalt  }
0x5b: {  	_ =	shalt  }
0x5c: {  	_ =	shalt  }
0x5d: {  	_ =	shalt  }
0x5e: {  	_ =	shalt  }
0x5f: {  	_ =	shalt  }
0x60: {  	_ =	shalt  }
0x61: {  	_ =	shalt  }
0x62: {  	_ =	shalt  }
0x63: {  	_ =	shalt  }
0x64: {  	_ =	shalt  }
0x65: {  	_ =	shalt  }
0x66: {  	_ =	shalt  }
0x67: {  	_ =	shalt  }
0x68: {  	_ =	shalt  }
0x69: {  	_ =	shalt  }
0x6a: {  	_ =	shalt  }
0x6b: {  	_ =	shalt  }
0x6c: {  	_ =	shalt  }
0x6d: {  	_ =	shalt  }
0x6e: {  	_ =	shalt  }
0x6f: {  	_ =	shalt  }
0x70: {  	_ =	shalt  }
0x71: {  	_ =	shalt  }
0x72: {  	_ =	shalt  }
0x73: {  	_ =	shalt  }
0x74: {  	_ =	shalt  }
0x75: {  	_ =	shalt  }
0x76: {  	_ =	shalt  }
0x77: {  	_ =	shalt  }
0x78: {  	_ =	shalt  }
0x79: {  	_ =	shalt  }
0x7a: {  	_ =	shalt  }
0x7b: {  	_ =	shalt  }
0x7c: {  	_ =	shalt  }
0x7d: {  	_ =	shalt  }
0x7e: {  	_ =	shalt  }
0x7f: {  	_ =	shalt  }
0x80: {  	_ =	shalt  }
0x81: {  	_ =	shalt  }
0x82: {  	_ =	shalt  }
0x83: {  	_ =	shalt  }
0x84: {  	_ =	shalt  }
0x85: {  	_ =	shalt  }
0x86: {  	_ =	shalt  }
0x87: {  	_ =	shalt  }
.Lfunc_end0:
.L_simem_size_0:
called_computation.1_lowered:
.L_overlay_start_0:
0x88: {  	s2 =	sld [smem:$0x3FD9]  }
0x89: {  	s3 =	sld [smem:$0x3FFE];
	_ =	sdelay $0x1  }
0x8a: {  	s1 =	srdreg.scid  }
0x8b: {  	s0 =	sand.u32 $0x1, s1  }
0x8c: {  	s16 =	sshll.u32 s0, $0xA;
	s2 =	sadd.s32 s3, s2  }
0x8d: {  	s2 =	sadd.s32 s2, s16  }
0x8e: {  	[smem:$0x3FB8] =	sst s2  }
0x8f: {  	_ = 	snop  }
0x90: {  	(tm) =	ssettm $0x1  }
0x91: {  	s17 =	sld [smem:$0x3FFB];
	_ =	sdelay $0x3  }
0x92: {  	_ =	strace s17  }
0x93: {  	s2 =	sld [smem:$0x3FFC];
	_ =	sdelay $0x3  }
0x94: {  	_ =	strace s2  }
0x95: {  	s2 =	sld [smem:$0x3FFD];
	_ =	sdelay $0x3  }
0x96: {  	_ =	strace s2  }
0x97: {  	_ =	strace $0x8FFFFFFF  }
0x98: {  	s18 =	sld [smem:$0x3FDB];
	_ =	sdelay $0x1  }
0x99: {  	s19 =	simm.s32 $_scs_section_size  }
0x9a: {  	s4 =	simm.s32 $_size__tile_overlayer_lowered;
	s5 =	simm.s32 $_tile_overlayer_lowered  }
0x9b: {  	s22 =	simm.s32 $0x1BFF;
	s21 =	sshll.u32 s5, $0x1;
	s2 =	sadd.s32 s19, s18  }
0x9c: {  	s6 =	simm.s32 $0x0;
	s20 =	sshll.u32 s4, $0x1;
	s4 =	sadd.s32 s21, s2  }
0x9d: {  	[timem:s6], [sflag:s22] =	dma.local [hbm:s4], s20  }
0x9e: {  	_ =	swait.ge [sflag:s22], s20  }
0x9f: {  	s3 =	ssub.s32 $0x0, s20;
	[sflag:s22] =	ssyncset.done $0x0  }
0xa0: {  	[sflag:s22] =	ssyncadd.s32 s3;
	_ =	sdelay $0x1  }
0xa1: {  	s23 =	simm.s32 $0x1B8B  }
0xa2: {  	_ =	swait.ge [sflag:s23], $0x1  }
0xa3: {  	[sflag:s23] =	ssyncset.done $0x0  }
0xa4: {  	s25 =	simm.s32 $0x1B8E;
	s24 =	sld [smem:$0x3FFE];
	[sflag:s23] =	ssyncadd.s32 $0xFFFFFFFF  }
0xa5: {  	s26 =	simm.s32 $execute0_lowered;
	[smem:$0x3FD2] =	sst s25  }
0xa6: {  	s4 =	sshll.u32 s26, $0x1;
	_ =	strace $0x80000049;
	[dreg:$0x1] =	wrdreg $0xFFFFFFFF  }
0xa7: {  	s28 =	simm.s32 $_size_execute0_lowered;
	s2 =	sadd.s32 s2, s4;
	[dreg:$0x0] =	wrdreg $0x0  }
0xa8: {  	s4 =	sshll.u32 s28, $0x1;
	[dreg:$0x2] =	wrdreg s2  }
0xa9: {  	[dreg:$0x3] =	wrdreg s4  }
0xaa: {  	[dreg:$0x4] =	wrdreg $0xC0  }
0xab: {  	_ =	task [dreg:s6], $0x5FFFF  }
0xac: {  	[dreg:$0x1] =	wrdreg $0xFFFFFFFF  }
0xad: {  	[dreg:$0x0] =	wrdreg $0x60  }
0xae: {  	[dreg:$0x2] =	wrdreg s24  }
0xaf: {  	[dreg:$0x3] =	wrdreg $0xA8000  }
0xb0: {  	[dreg:$0x4] =	wrdreg $0x9  }
0xb1: {  	_ =	task.clear_ibuf [dreg:s6], $0x5FFFF;
	_ =	strace $0x90000049  }
0xb2: {  	s29 =	simm.s32 $0x9;
	_ =	strace $0x8000004B  }
0xb3: {  	_ =	swait.ge [sflag:s29], $0x1  }
0xb4: {  	[sflag:s29] =	ssyncadd.s32 $0xFFFFFFFF  }
0xb5: {  	_ =	strace $0x9000004B  }
0xb6: {  	_ =	sfence  }
0xb7: {  	s30 =	sld [smem:$0x0];
	_ =	sdelay $0x2  }
0xb8: {  	s31 =	sshll.u32 s1, $0xD;
	s1 =	sshrl.u32 s1, $0x2  }
0xb9: {  	s3 =	sand.u32 $0x4000, s31;
	s1 =	sadd.s32 s1, s30  }
0xba: {  	s0 =	sor.u32 s3, s0;
	s1 =	sshll.u32 s1, $0x11  }
0xbb: {  	s0 =	sor.u32 s1, s0  }
0xbc: {  	s0 =	sadd.s32 $0x8F2B, s0  }
0xbd: {  	[sflag:s0] =	ssyncadd.remote.s32 $0x1  }
0xbe: {  	_ =	sfence.sel $0xFFFF  }
0xbf: {  	[dreg:$0x0] =	wrdreg $0xFFFFFFFF;
	(pc) =	sbr.abs _section_cstart, $3  }
0xc0: {  	[dreg:$0x1] =	wrdreg $0xFFFFFFFF  }
0xc1: {  	_ =	task.clear_ibuf [dreg:s6], $0x2FFFF;
	_ =	strace $0x9FFFFFFF  }
0xc2: {  	(tm) =	ssettm $0x7FFFFFFF  }
0xc3: {  	_ =	shalt  }
tec
execute0_lowered:
.L_overlay_start_1:
0x0: {  	(tag) =	ssettag $0x1  }
0x1: {  	s5 =	rddreg [dreg:$0x0]  }
0x2: {  	s0 =	srdreg.scid;
	s2 =	rddreg [dreg:$0x1];
	s3 =	simm.s32 $0x0  }
0x3: {  	s15 =	simm.s32 $0x6800;
	s16 =	simm.s32 $0x2;
	s10 =	sand.u32 $0x1, s0  }
0x4: {  	s17 =	simm.s32 $0x80;
	s0 =	stileid.u32;
	s6 =	smul.u32 $0x13C000, s10  }
0x5: {  	s18 =	simm.s32 $0x1;
	[smem:$0x7FF] =	sst s3;
	s7 =	smul.u32 $0x13C00, s0  }
0x6: {  	s1 =	sshll.u32 s10, $0x4;
	s8 =	smul.u32 $0x4F000, s0;
	s31 =	ssub.s32 $0x2, s10  }
0x7: {  	p0 =	seq.s32 s10, $0x0;
	s10 =	simm.s32 $0x64;
	s19 =	sshll.u32 s0, $0x6  }
0x8: {  	s1 =	sor.u32 s0, s1;
	s9 =	sshrl.u32 s31, $0x1;
	s10 =	simm.s32 @!p0 $0x39  }
0x9: {  	s19 =	sor.u32 $0x1C02, s19;
	s4 =	smul.u32 $0x680, s1;
	s1 =	rddreg [dreg:$0x2]  }
0xa: {  	_ =	strace $0x8000004A;
	s6 =	sadd.s32 s7, s6;
	s8 =	sshrl.u32 s8, $0x2  }
0xb: {  	s14 =	ssub.s32 s31, s9;
	s6 =	sshrl.u32 s6, $0x3;
	s12 =	sadd.s32 s4, s5  }
0xc: {  	s4 =	sadd.s32 $0x1C800, s5;
	s13 =	sadd.s32 s6, s5;
	s5 =	sadd.s32 s8, s2  }
0xd: {  	s14 =	smax.u32 s14, $0x1;
	s6 =	sadd.s32 $0x4000, s5;
	s7 =	sadd.s32 $0x8000, s5  }
0xe: {  	s8 =	sadd.s32 $0xC000, s5;
	s9 =	sadd.s32 $0x10000, s5;
	s11 =	sadd.s32 $0xF800, s12  }
0xf: {  	v0 =	vimm.f32 $0.0e+00;
	s12 =	sadd.s32 $0x2800, s12;
	s13 =	sadd.s32 $0x44000, s13;
	s20 =	sshrl.u32 s5, $0x3  }
.LBB2_1:
0x10: {  	s21 =	simm.s32 $0x0;
	s22 =	simm.s32 $0x200  }
.LBB2_2:
0x11: {  	p0 =	sne.s32 s22, $0xFE00;
	[tilespmem:s21+$0x6870] =	vst v0  }
0x12: {  	[tilespmem:s21+$0x6800] =	vst v0  }
0x13: {  	[tilespmem:s21+$0x6810] =	vst v0  }
.Ltmp0:
0x14: {  	[tilespmem:s21+$0x6820] =	vst v0;
	(pc) =	sbr.rel @p0 .LBB2_2-.Ltmp0, $4  }
0x15: {  	[tilespmem:s21+$0x6830] =	vst v0  }
0x16: {  	[tilespmem:s21+$0x6840] =	vst v0  }
0x17: {  	[tilespmem:s21+$0x6850] =	vst v0  }
0x18: {  	[tilespmem:s21+$0x6860] =	vst v0;
	s21 =	sshra.s32 s22, $0x2;
	s22 =	sadd.s32 $0x200, s22  }
0x19: {  	[tilespmem:s21+$0x6870] =	vst v0  }
0x1a: {  	[tilespmem:s21+$0x6800] =	vst v0  }
0x1b: {  	[tilespmem:s21+$0x6810] =	vst v0  }
0x1c: {  	[tilespmem:s21+$0x6820] =	vst v0  }
0x1d: {  	[tilespmem:s21+$0x6830] =	vst v0  }
0x1e: {  	[tilespmem:s21+$0x6840] =	vst v0  }
0x1f: {  	[tilespmem:s21+$0x6850] =	vst v0  }
0x20: {  	[tilespmem:s21+$0x6860] =	vst v0  }
0x21: {  	[spmem:s5] =	stream.linear.scatter [tilespmem:s15], [sflag:$0x2], $0x4000, $0x38;
	[tilespmem:$0x1E400] =	vst v63  }
0x22: {  	_ =	swait.ge [sflag:s16], $0x4000  }
0x23: {  	[sflag:s16] =	ssyncset.done $0x0  }
0x24: {  	[sflag:s16] =	ssyncadd.s32 $0xFFFFC000  }
0x25: {  	[spmem:s6] =	stream.linear.scatter [tilespmem:s15], [sflag:$0x2], $0x4000, $0x38;
	[tilespmem:$0x1E400] =	vst v63  }
0x26: {  	_ =	swait.ge [sflag:s16], $0x4000  }
0x27: {  	[sflag:s16] =	ssyncset.done $0x0  }
0x28: {  	[sflag:s16] =	ssyncadd.s32 $0xFFFFC000  }
0x29: {  	[spmem:s7] =	stream.linear.scatter [tilespmem:s15], [sflag:$0x2], $0x4000, $0x38;
	[tilespmem:$0x1E400] =	vst v63  }
0x2a: {  	_ =	swait.ge [sflag:s16], $0x4000  }
0x2b: {  	[sflag:s16] =	ssyncset.done $0x0  }
0x2c: {  	[sflag:s16] =	ssyncadd.s32 $0xFFFFC000  }
0x2d: {  	[spmem:s8] =	stream.linear.scatter [tilespmem:s15], [sflag:$0x2], $0x4000, $0x38;
	[tilespmem:$0x1E400] =	vst v63  }
0x2e: {  	_ =	swait.ge [sflag:s16], $0x4000  }
0x2f: {  	[sflag:s16] =	ssyncset.done $0x0  }
0x30: {  	[sflag:s16] =	ssyncadd.s32 $0xFFFFC000  }
0x31: {  	[spmem:s9] =	stream.linear.scatter [tilespmem:s15], [sflag:$0x2], $0x3C00, $0x38;
	[tilespmem:$0x1E400] =	vst v63  }
0x32: {  	_ =	swait.ge [sflag:s16], $0x3C00  }
0x33: {  	[sflag:s16] =	ssyncset.done $0x0  }
0x34: {  	s21 =	simm.s32 $0x0;
	[sflag:s16] =	ssyncadd.s32 $0xFFFFC400  }
0x35: {  	[tilespmem:s21], [sflag:$0x2] =	stream.linear.gather [hbm4b:s11+s21], $0x3200, $0x38;
	[tilespmem:$0x1E400] =	vst v63  }
0x36: {  	_ =	swait.ge [sflag:s16], $0x3200  }
0x37: {  	[sflag:s16] =	ssyncset.done $0x0  }
0x38: {  	s22 =	simm.s32 $0x3400;
	[sflag:s16] =	ssyncadd.s32 $0xFFFFCE00  }
0x39: {  	[tilespmem:s22], [sflag:$0x2] =	stream.linear.gather [hbm4b:s12+s21], $0x3200, $0x38;
	[tilespmem:$0x1E400] =	vst v63  }
0x3a: {  	_ =	swait.ge [sflag:s16], $0x3200  }
0x3b: {  	[sflag:s16] =	ssyncset.done $0x0  }
0x3c: {  	[sflag:s16] =	ssyncadd.s32 $0xFFFFCE00  }
0x3d: {  	[bflag:$0x0] =	sbarrier.arrive $0xFFFF  }
0x3e: {  	[tilespmem:s15], [sflag:$0x1] =	stream.indirect.gather [hbm4b:s4+s17], $0x80, s21, s17, $0xb8;
	[tilespmem:$0x1E400] =	vst v63  }
0x3f: {  	p0 =	sne.s32 s10, $0x1;
	_ =	swait.ge [sflag:s18], $0x4000  }
.Ltmp1:
0x40: {  	[sflag:s18] =	ssyncset.done $0x0;
	(pc) =	sbr.rel @!p0 .LBB2_5-.Ltmp1, $4  }
0x41: {  	[sflag:s18] =	ssyncadd.s32 $0xFFFFC000  }
0x42: {  	[spmem:s2] =	stream.indirect.scatter.add.f32 [tilespmem:s15], [sflag:$0x2], $0x80, s22, s17, $0xb8;
	[tilespmem:$0x1E400] =	vst v63  }
0x43: {  	_ =	swait.ge [sflag:s16], $0x4000  }
0x44: {  	s23 =	sadd.s32 $0xFFFFFFFF, s10;
	[sflag:s16] =	ssyncset.done $0x0  }
.LBB2_4:
0x45: {  	[sflag:s16] =	ssyncadd.s32 $0xFFFFC000;
	s21 =	sadd.s32 $0x80, s21;
	s22 =	sadd.s32 $0x80, s22  }
0x46: {  	[tilespmem:s15], [sflag:$0x1] =	stream.indirect.gather [hbm4b:s4+s17], $0x80, s21, s17, $0xb8;
	[tilespmem:$0x1E400] =	vst v63  }
0x47: {  	p0 =	sne.s32 s23, $0x1;
	s23 =	sadd.s32 $0xFFFFFFFF, s23;
	_ =	swait.ge [sflag:s18], $0x4000  }
.Ltmp2:
0x48: {  	[sflag:s18] =	ssyncset.done $0x0;
	(pc) =	sbr.rel @p0 .LBB2_4-.Ltmp2, $4  }
0x49: {  	[sflag:s18] =	ssyncadd.s32 $0xFFFFC000  }
0x4a: {  	[spmem:s2] =	stream.indirect.scatter.add.f32 [tilespmem:s15], [sflag:$0x2], $0x80, s22, s17, $0xb8;
	[tilespmem:$0x1E400] =	vst v63  }
0x4b: {  	_ =	swait.ge [sflag:s16], $0x4000  }
0x4c: {  	[sflag:s16] =	ssyncset.done $0x0  }
.LBB2_5:
0x4d: {  	s3 =	sadd.s32 $0x1, s3  }
0x4e: {  	[sflag:s16] =	ssyncadd.s32 $0xFFFFC000;
	p0 =	sne.s32 s3, s14  }
.Ltmp3:
0x4f: {  	[bflag:$0x0] =	sbarrier.arrive $0xFFFF;
	(pc) =	sbr.rel @p0 .LBB2_1-.Ltmp3, $4  }
0x50: {  	[hbm:s13], [sflag:s19] =	dma.local [spmem:s20], $0x2780  }
0x51: {  	_ =	swait.ge [sflag:s16], $0x2780  }
0x52: {  	[sflag:s16] =	ssyncset.done $0x0  }
0x53: {  	[sflag:s16] =	ssyncadd.s32 $0xFFFFD880  }
0x54: {  	_ =	sfence.sel $0x180000  }
0x55: {  	[bflag:$0x0] =	sbarrier.arrive $0xFFFF  }
0x56: {  	p0 =	sne.s32 s0, $0x0;
	_ =	strace $0x9000004A  }
0x57: {  	s0 =	sadd.s32 @!p0 $0x100000, s1;
	[bflag:$0x2] =	sbarrier.arrive $0xFFFF  }
0x58: {  	[sflag:s0] =	ssyncadd.tile.s32 @!p0 $0x1;
	_ =	shalt  }
.Lfunc_end2:
_tile_overlayer_lowered:
.L_overlay_start_2:
0x59: {  	(tag) =	ssettag $0x2  }
0x5a: {  	s0 =	rddreg [dreg:$0x0];
	s2 =	stileid.u32  }
0x5b: {  	s1 =	rddreg [dreg:$0x1];
	p0 =	sne.s32 s2, $0x0  }
0x5c: {  	s3 =	rddreg [dreg:$0x2];
	[bflag:$0x3] =	sbarrier.arrive $0xFFFF;
	s2 =	simm.s32 @!p0 $0x1C02  }
0x5d: {  	[timem:s3], [sflag:s2] =	dma.local @!p0 [hbm:s0], s1  }
0x5e: {  	s0 =	simm.s32 @!p0 $0x2  }
0x5f: {  	_ =	swait.ge @!p0 [sflag:s0], s1  }
0x60: {  	s1 =	ssub.s32 @!p0 $0x0, s1;
	[sflag:s0] =	ssyncset.done @!p0 $0x0  }
0x61: {  	[sflag:s0] =	ssyncadd.s32 @!p0 s1  }
0x62: {  	[bflag:$0x3] =	sbarrier.arrive $0xFFFF  }
0x63: {  	_ =	shalt  }

// kernel: kernel.7.cloned.1.call-start
scs
__scs_entry_jumppad:
0x0: {  	(pc) =	sbr.rel $0x88, $3  }
0x1: {  	(tag) =	ssettag $0x0;
	lr =	simm.s32 $0x1  }
0x2: {  	[smem:$0x3F91] =	sst lr;
	_ =	strace $0xD0000000  }
0x3: {  	_ = 	snop  }
0x4: {  	_ = 	snop  }
0x5: {  	_ = 	snop  }
0x6: {  	_ = 	snop  }
0x7: {  	_ = 	snop  }
__scs_overlays_trampoline_lowered:
0x8: {  	[smem:$0x3FA0] =	sst s0  }
0x9: {  	[smem:$0x3FA1] =	sst s1  }
0xa: {  	[smem:$0x3FA2] =	sst s2  }
0xb: {  	[smem:$0x3FA3] =	sst s3  }
0xc: {  	[smem:$0x3FA4] =	sst s4  }
0xd: {  	[smem:$0x3FA5] =	sst s5  }
0xe: {  	[smem:$0x3FA6] =	sst s6  }
0xf: {  	[smem:$0x3FA7] =	sst s7  }
0x10: {  	[smem:$0x3FA8] =	sst s8  }
0x11: {  	[smem:$0x3FA9] =	sst s9;
	s0 =	simm.s32 @!p0 $0x0  }
0x12: {  	s1 =	sld [smem:$0x3F8F];
	s0 =	simm.s32 @p0 $0x1  }
0x13: {  	[smem:$0x3FAA] =	sst s0;
	s0 =	simm.s32 @!p1 $0x0  }
0x14: {  	s2 =	sld [smem:$0x3F8E];
	s0 =	simm.s32 @p1 $0x1  }
0x15: {  	[smem:$0x3FAB] =	sst s0;
	s0 =	simm.s32 @!p2 $0x0  }
0x16: {  	s3 =	sld [smem:$0x3FDB];
	s0 =	simm.s32 @p2 $0x1  }
0x17: {  	s4 =	simm.s32 $0x1BF5;
	[smem:$0x3FAD] =	sst s0  }
0x18: {  	s0 =	sld [smem:$0x3F90];
	_ =	swait.ge [sflag:s4], $0x0  }
0x19: {  	s7 =	sld [smem:$0x3F91]  }
0x1a: {  	s8 =	sadd.s32 $0xFFFFE003, lr  }
0x1b: {  	s9 =	sadd.s32 $0xFFFFFEF7, lr;
	s5 =	simm.s32 $0xFFFFFFFF;
	p2 =	slt.u32 s8, $0xFFFFF086  }
0x1c: {  	p1 =	slt.u32 s9, $0xF7A;
	s5 =	simm.s32 @!p2 $0x0  }
0x1d: {  	s5 =	simm.s32 @p1 $0x1;
	p0 =	seq.s32 s7, s2  }
0x1e: {  	s7 =	smul.u32 @!p0 $0xF7A, s2;
	p2 =	seq.s32 @!p0 s5, $0x0  }
0x1f: {  	s9 =	smul.u32 $0xF7A, s1;
	s8 =	simm.s32 @!p0 $0x1BF5;
	p2 =	por !p2, p0  }
0x20: {  	[sflag:s8] =	ssyncset.s32 @!p0 $0xFFFFF086;
	s6 =	sadd.s32 @!p0 s3, s7;
	s7 =	simm.s32 @!p0 $0x108  }
0x21: {  	s3 =	sadd.s32 s3, s9;
	s6 =	sadd.s32 @!p0 $0x88, s6;
	s7 =	simm.s32 @p2 $0x1082  }
0x22: {  	[simem:s7], [sflag:s8] =	dma.local @!p0 [hbm:s6], $0xF7A  }
0x23: {  	s9 =	sor.u32 $0xD0000000, s2;
	s6 =	simm.s32 $0x108;
	_ =	swait.ge @!p0 [sflag:s8], $0x0  }
0x24: {  	s3 =	sadd.s32 $0x88, s3;
	s6 =	simm.s32 @!p1 $0x1082;
	[sflag:s4] =	ssyncset.s32 $0xFFFFF086  }
0x25: {  	[simem:s6], [sflag:s4] =	dma.local [hbm:s3], $0xF7A  }
0x26: {  	[smem:$0x3F91] =	sst s1;
	(tag) =	ssettag s2;
	_ =	strace s9  }
0x27: {  	s1 =	sld [smem:$0x3FA1]  }
0x28: {  	s2 =	sld [smem:$0x3FA2]  }
0x29: {  	s4 =	sld [smem:$0x3FA4]  }
0x2a: {  	p0 =	seq.s32 s5, $0x0;
	s5 =	sld [smem:$0x3FA5]  }
0x2b: {  	s6 =	sld [smem:$0x3FA6]  }
0x2c: {  	s7 =	sld [smem:$0x3FA7]  }
0x2d: {  	s3 =	simm.s32 $0x108;
	s8 =	sld [smem:$0x3FA8]  }
0x2e: {  	s3 =	simm.s32 @!p0 $0x1082;
	s9 =	sld [smem:$0x3FA9]  }
0x2f: {  	lr =	sadd.s32 s0, s3;
	s0 =	sld [smem:$0x3FA0]  }
0x30: {  	s3 =	sld [smem:$0x3FA3]  }
0x31: {  	[smem:$0x3FAC] =	sst s10  }
0x32: {  	s10 =	sld [smem:$0x3FAA];
	_ =	sdelay $0x3  }
0x33: {  	p0 =	seq.s32 s10, $0x1;
	s10 =	sld [smem:$0x3FAC];
	_ =	sdelay $0x3  }
0x34: {  	[smem:$0x3FAC] =	sst s10  }
0x35: {  	s10 =	sld [smem:$0x3FAB];
	_ =	sdelay $0x3  }
0x36: {  	p1 =	seq.s32 s10, $0x1;
	s10 =	sld [smem:$0x3FAC];
	_ =	sdelay $0x3  }
0x37: {  	[smem:$0x3FAC] =	sst s10  }
0x38: {  	s10 =	sld [smem:$0x3FAD]  }
0x39: {  	_ = 	snop;
	(pc) =	sbr.ind lr, $3  }
0x3a: {  	_ = 	snop  }
0x3b: {  	_ = 	snop  }
0x3c: {  	p2 =	seq.s32 s10, $0x1;
	s10 =	sld [smem:$0x3FAC]  }
0x3d: {  	_ =	shalt  }
0x3e: {  	_ =	shalt  }
0x3f: {  	_ =	shalt  }
0x40: {  	_ =	shalt  }
0x41: {  	_ =	shalt  }
0x42: {  	_ =	shalt  }
0x43: {  	_ =	shalt  }
0x44: {  	_ =	shalt  }
0x45: {  	_ =	shalt  }
0x46: {  	_ =	shalt  }
0x47: {  	_ =	shalt  }
0x48: {  	_ =	shalt  }
0x49: {  	_ =	shalt  }
0x4a: {  	_ =	shalt  }
0x4b: {  	_ =	shalt  }
0x4c: {  	_ =	shalt  }
0x4d: {  	_ =	shalt  }
0x4e: {  	_ =	shalt  }
0x4f: {  	_ =	shalt  }
0x50: {  	_ =	shalt  }
0x51: {  	_ =	shalt  }
0x52: {  	_ =	shalt  }
0x53: {  	_ =	shalt  }
0x54: {  	_ =	shalt  }
0x55: {  	_ =	shalt  }
0x56: {  	_ =	shalt  }
0x57: {  	_ =	shalt  }
0x58: {  	_ =	shalt  }
0x59: {  	_ =	shalt  }
0x5a: {  	_ =	shalt  }
0x5b: {  	_ =	shalt  }
0x5c: {  	_ =	shalt  }
0x5d: {  	_ =	shalt  }
0x5e: {  	_ =	shalt  }
0x5f: {  	_ =	shalt  }
0x60: {  	_ =	shalt  }
0x61: {  	_ =	shalt  }
0x62: {  	_ =	shalt  }
0x63: {  	_ =	shalt  }
0x64: {  	_ =	shalt  }
0x65: {  	_ =	shalt  }
0x66: {  	_ =	shalt  }
0x67: {  	_ =	shalt  }
0x68: {  	_ =	shalt  }
0x69: {  	_ =	shalt  }
0x6a: {  	_ =	shalt  }
0x6b: {  	_ =	shalt  }
0x6c: {  	_ =	shalt  }
0x6d: {  	_ =	shalt  }
0x6e: {  	_ =	shalt  }
0x6f: {  	_ =	shalt  }
0x70: {  	_ =	shalt  }
0x71: {  	_ =	shalt  }
0x72: {  	_ =	shalt  }
0x73: {  	_ =	shalt  }
0x74: {  	_ =	shalt  }
0x75: {  	_ =	shalt  }
0x76: {  	_ =	shalt  }
0x77: {  	_ =	shalt  }
0x78: {  	_ =	shalt  }
0x79: {  	_ =	shalt  }
0x7a: {  	_ =	shalt  }
0x7b: {  	_ =	shalt  }
0x7c: {  	_ =	shalt  }
0x7d: {  	_ =	shalt  }
0x7e: {  	_ =	shalt  }
0x7f: {  	_ =	shalt  }
0x80: {  	_ =	shalt  }
0x81: {  	_ =	shalt  }
0x82: {  	_ =	shalt  }
0x83: {  	_ =	shalt  }
0x84: {  	_ =	shalt  }
0x85: {  	_ =	shalt  }
0x86: {  	_ =	shalt  }
0x87: {  	_ =	shalt  }
.Lfunc_end0:
.L_simem_size_0:
called_computation_lowered:
.L_overlay_start_0:
0x88: {  	s2 =	sld [smem:$0x3FD9]  }
0x89: {  	s3 =	sld [smem:$0x3FFE];
	_ =	sdelay $0x1  }
0x8a: {  	s1 =	srdreg.scid  }
0x8b: {  	s0 =	sand.u32 $0x1, s1  }
0x8c: {  	s16 =	sshll.u32 s0, $0xA;
	s2 =	sadd.s32 s3, s2  }
0x8d: {  	s2 =	sadd.s32 s2, s16  }
0x8e: {  	[smem:$0x3FB8] =	sst s2  }
0x8f: {  	_ = 	snop  }
0x90: {  	(tm) =	ssettm $0x1  }
0x91: {  	s17 =	sld [smem:$0x3FFB];
	_ =	sdelay $0x3  }
0x92: {  	_ =	strace s17  }
0x93: {  	s2 =	sld [smem:$0x3FFC];
	_ =	sdelay $0x3  }
0x94: {  	_ =	strace s2  }
0x95: {  	s2 =	sld [smem:$0x3FFD];
	_ =	sdelay $0x3  }
0x96: {  	_ =	strace s2  }
0x97: {  	_ =	strace $0x8FFFFFFF  }
0x98: {  	s18 =	sld [smem:$0x3FDB];
	_ =	sdelay $0x1  }
0x99: {  	s19 =	simm.s32 $_scs_section_size  }
0x9a: {  	s4 =	simm.s32 $_size__tile_overlayer_lowered;
	s5 =	simm.s32 $_tile_overlayer_lowered  }
0x9b: {  	s22 =	simm.s32 $0x1BFF;
	s21 =	sshll.u32 s5, $0x1;
	s2 =	sadd.s32 s19, s18  }
0x9c: {  	s6 =	simm.s32 $0x0;
	s20 =	sshll.u32 s4, $0x1;
	s4 =	sadd.s32 s21, s2  }
0x9d: {  	[timem:s6], [sflag:s22] =	dma.local [hbm:s4], s20  }
0x9e: {  	_ =	swait.ge [sflag:s22], s20  }
0x9f: {  	s3 =	ssub.s32 $0x0, s20;
	[sflag:s22] =	ssyncset.done $0x0  }
0xa0: {  	[sflag:s22] =	ssyncadd.s32 s3;
	_ =	sdelay $0x1  }
0xa1: {  	s23 =	simm.s32 $0x1B8B  }
0xa2: {  	_ =	swait.ge [sflag:s23], $0x1  }
0xa3: {  	[sflag:s23] =	ssyncset.done $0x0  }
0xa4: {  	s25 =	simm.s32 $0x1B8E;
	s24 =	sld [smem:$0x3FFE];
	[sflag:s23] =	ssyncadd.s32 $0xFFFFFFFF  }
0xa5: {  	s26 =	simm.s32 $execute0_lowered;
	[smem:$0x3FD2] =	sst s25  }
0xa6: {  	s4 =	sshll.u32 s26, $0x1;
	_ =	strace $0x80000046;
	[dreg:$0x1] =	wrdreg $0xFFFFFFFF  }
0xa7: {  	s28 =	simm.s32 $_size_execute0_lowered;
	s2 =	sadd.s32 s2, s4;
	[dreg:$0x0] =	wrdreg $0x0  }
0xa8: {  	s4 =	sshll.u32 s28, $0x1;
	[dreg:$0x2] =	wrdreg s2  }
0xa9: {  	[dreg:$0x3] =	wrdreg s4  }
0xaa: {  	[dreg:$0x4] =	wrdreg $0xC0  }
0xab: {  	_ =	task [dreg:s6], $0x5FFFF  }
0xac: {  	[dreg:$0x1] =	wrdreg $0xFFFFFFFF  }
0xad: {  	[dreg:$0x0] =	wrdreg $0x60  }
0xae: {  	[dreg:$0x2] =	wrdreg s24  }
0xaf: {  	[dreg:$0x3] =	wrdreg $0xA8000  }
0xb0: {  	[dreg:$0x4] =	wrdreg $0x9  }
0xb1: {  	_ =	task.clear_ibuf [dreg:s6], $0x5FFFF;
	_ =	strace $0x90000046  }
0xb2: {  	s29 =	simm.s32 $0x9;
	_ =	strace $0x80000048  }
0xb3: {  	_ =	swait.ge [sflag:s29], $0x1  }
0xb4: {  	[sflag:s29] =	ssyncadd.s32 $0xFFFFFFFF  }
0xb5: {  	_ =	strace $0x90000048  }
0xb6: {  	_ =	sfence  }
0xb7: {  	s30 =	sld [smem:$0x0];
	_ =	sdelay $0x2  }
0xb8: {  	s31 =	sshll.u32 s1, $0xD;
	s1 =	sshrl.u32 s1, $0x2  }
0xb9: {  	s3 =	sand.u32 $0x4000, s31;
	s1 =	sadd.s32 s1, s30  }
0xba: {  	s0 =	sor.u32 s3, s0;
	s1 =	sshll.u32 s1, $0x11  }
0xbb: {  	s0 =	sor.u32 s1, s0  }
0xbc: {  	s0 =	sadd.s32 $0x8F2B, s0  }
0xbd: {  	[sflag:s0] =	ssyncadd.remote.s32 $0x1  }
0xbe: {  	_ =	sfence.sel $0xFFFF  }
0xbf: {  	[dreg:$0x0] =	wrdreg $0xFFFFFFFF;
	(pc) =	sbr.abs _section_cstart, $3  }
0xc0: {  	[dreg:$0x1] =	wrdreg $0xFFFFFFFF  }
0xc1: {  	_ =	task.clear_ibuf [dreg:s6], $0x2FFFF;
	_ =	strace $0x9FFFFFFF  }
0xc2: {  	(tm) =	ssettm $0x7FFFFFFF  }
0xc3: {  	_ =	shalt  }
tec
execute0_lowered:
.L_overlay_start_1:
0x0: {  	(tag) =	ssettag $0x1  }
0x1: {  	s5 =	rddreg [dreg:$0x0]  }
0x2: {  	s0 =	srdreg.scid;
	s2 =	rddreg [dreg:$0x1];
	s3 =	simm.s32 $0x0  }
0x3: {  	s15 =	simm.s32 $0x6800;
	s16 =	simm.s32 $0x2;
	s10 =	sand.u32 $0x1, s0  }
0x4: {  	s17 =	simm.s32 $0x80;
	s0 =	stileid.u32;
	s6 =	smul.u32 $0x13C000, s10  }
0x5: {  	s18 =	simm.s32 $0x1;
	[smem:$0x7FF] =	sst s3;
	s7 =	smul.u32 $0x13C00, s0  }
0x6: {  	s1 =	sshll.u32 s10, $0x4;
	s8 =	smul.u32 $0x4F000, s0;
	s31 =	ssub.s32 $0x2, s10  }
0x7: {  	p0 =	seq.s32 s10, $0x0;
	s10 =	simm.s32 $0x64;
	s19 =	sshll.u32 s0, $0x6  }
0x8: {  	s1 =	sor.u32 s0, s1;
	s9 =	sshrl.u32 s31, $0x1;
	s10 =	simm.s32 @!p0 $0x39  }
0x9: {  	s19 =	sor.u32 $0x1C02, s19;
	s4 =	smul.u32 $0x680, s1;
	s1 =	rddreg [dreg:$0x2]  }
0xa: {  	_ =	strace $0x80000047;
	s6 =	sadd.s32 s7, s6;
	s8 =	sshrl.u32 s8, $0x2  }
0xb: {  	s14 =	ssub.s32 s31, s9;
	s6 =	sshrl.u32 s6, $0x3;
	s12 =	sadd.s32 s4, s5  }
0xc: {  	s4 =	sadd.s32 $0x1C800, s5;
	s13 =	sadd.s32 s6, s5;
	s5 =	sadd.s32 s8, s2  }
0xd: {  	s14 =	smax.u32 s14, $0x1;
	s6 =	sadd.s32 $0x4000, s5;
	s7 =	sadd.s32 $0x8000, s5  }
0xe: {  	s8 =	sadd.s32 $0xC000, s5;
	s9 =	sadd.s32 $0x10000, s5;
	s11 =	sadd.s32 $0xF800, s12  }
0xf: {  	v0 =	vimm.f32 $0.0e+00;
	s12 =	sadd.s32 $0x2800, s12;
	s13 =	sadd.s32 $0x44000, s13;
	s20 =	sshrl.u32 s5, $0x3  }
.LBB2_1:
0x10: {  	s21 =	simm.s32 $0x0;
	s22 =	simm.s32 $0x200  }
.LBB2_2:
0x11: {  	p0 =	sne.s32 s22, $0xFE00;
	[tilespmem:s21+$0x6870] =	vst v0  }
0x12: {  	[tilespmem:s21+$0x6800] =	vst v0  }
0x13: {  	[tilespmem:s21+$0x6810] =	vst v0  }
.Ltmp0:
0x14: {  	[tilespmem:s21+$0x6820] =	vst v0;
	(pc) =	sbr.rel @p0 .LBB2_2-.Ltmp0, $4  }
0x15: {  	[tilespmem:s21+$0x6830] =	vst v0  }
0x16: {  	[tilespmem:s21+$0x6840] =	vst v0  }
0x17: {  	[tilespmem:s21+$0x6850] =	vst v0  }
0x18: {  	[tilespmem:s21+$0x6860] =	vst v0;
	s21 =	sshra.s32 s22, $0x2;
	s22 =	sadd.s32 $0x200, s22  }
0x19: {  	[tilespmem:s21+$0x6870] =	vst v0  }
0x1a: {  	[tilespmem:s21+$0x6800] =	vst v0  }
0x1b: {  	[tilespmem:s21+$0x6810] =	vst v0  }
0x1c: {  	[tilespmem:s21+$0x6820] =	vst v0  }
0x1d: {  	[tilespmem:s21+$0x6830] =	vst v0  }
0x1e: {  	[tilespmem:s21+$0x6840] =	vst v0  }
0x1f: {  	[tilespmem:s21+$0x6850] =	vst v0  }
0x20: {  	[tilespmem:s21+$0x6860] =	vst v0  }
0x21: {  	[spmem:s5] =	stream.linear.scatter [tilespmem:s15], [sflag:$0x2], $0x4000, $0x38;
	[tilespmem:$0x1E400] =	vst v63  }
0x22: {  	_ =	swait.ge [sflag:s16], $0x4000  }
0x23: {  	[sflag:s16] =	ssyncset.done $0x0  }
0x24: {  	[sflag:s16] =	ssyncadd.s32 $0xFFFFC000  }
0x25: {  	[spmem:s6] =	stream.linear.scatter [tilespmem:s15], [sflag:$0x2], $0x4000, $0x38;
	[tilespmem:$0x1E400] =	vst v63  }
0x26: {  	_ =	swait.ge [sflag:s16], $0x4000  }
0x27: {  	[sflag:s16] =	ssyncset.done $0x0  }
0x28: {  	[sflag:s16] =	ssyncadd.s32 $0xFFFFC000  }
0x29: {  	[spmem:s7] =	stream.linear.scatter [tilespmem:s15], [sflag:$0x2], $0x4000, $0x38;
	[tilespmem:$0x1E400] =	vst v63  }
0x2a: {  	_ =	swait.ge [sflag:s16], $0x4000  }
0x2b: {  	[sflag:s16] =	ssyncset.done $0x0  }
0x2c: {  	[sflag:s16] =	ssyncadd.s32 $0xFFFFC000  }
0x2d: {  	[spmem:s8] =	stream.linear.scatter [tilespmem:s15], [sflag:$0x2], $0x4000, $0x38;
	[tilespmem:$0x1E400] =	vst v63  }
0x2e: {  	_ =	swait.ge [sflag:s16], $0x4000  }
0x2f: {  	[sflag:s16] =	ssyncset.done $0x0  }
0x30: {  	[sflag:s16] =	ssyncadd.s32 $0xFFFFC000  }
0x31: {  	[spmem:s9] =	stream.linear.scatter [tilespmem:s15], [sflag:$0x2], $0x3C00, $0x38;
	[tilespmem:$0x1E400] =	vst v63  }
0x32: {  	_ =	swait.ge [sflag:s16], $0x3C00  }
0x33: {  	[sflag:s16] =	ssyncset.done $0x0  }
0x34: {  	s21 =	simm.s32 $0x0;
	[sflag:s16] =	ssyncadd.s32 $0xFFFFC400  }
0x35: {  	[tilespmem:s21], [sflag:$0x2] =	stream.linear.gather [hbm4b:s11+s21], $0x3200, $0x38;
	[tilespmem:$0x1E400] =	vst v63  }
0x36: {  	_ =	swait.ge [sflag:s16], $0x3200  }
0x37: {  	[sflag:s16] =	ssyncset.done $0x0  }
0x38: {  	s22 =	simm.s32 $0x3400;
	[sflag:s16] =	ssyncadd.s32 $0xFFFFCE00  }
0x39: {  	[tilespmem:s22], [sflag:$0x2] =	stream.linear.gather [hbm4b:s12+s21], $0x3200, $0x38;
	[tilespmem:$0x1E400] =	vst v63  }
0x3a: {  	_ =	swait.ge [sflag:s16], $0x3200  }
0x3b: {  	[sflag:s16] =	ssyncset.done $0x0  }
0x3c: {  	[sflag:s16] =	ssyncadd.s32 $0xFFFFCE00  }
0x3d: {  	[bflag:$0x0] =	sbarrier.arrive $0xFFFF  }
0x3e: {  	[tilespmem:s15], [sflag:$0x1] =	stream.indirect.gather [hbm4b:s4+s17], $0x80, s21, s17, $0xb8;
	[tilespmem:$0x1E400] =	vst v63  }
0x3f: {  	p0 =	sne.s32 s10, $0x1;
	_ =	swait.ge [sflag:s18], $0x4000  }
.Ltmp1:
0x40: {  	[sflag:s18] =	ssyncset.done $0x0;
	(pc) =	sbr.rel @!p0 .LBB2_5-.Ltmp1, $4  }
0x41: {  	[sflag:s18] =	ssyncadd.s32 $0xFFFFC000  }
0x42: {  	[spmem:s2] =	stream.indirect.scatter.add.f32 [tilespmem:s15], [sflag:$0x2], $0x80, s22, s17, $0xb8;
	[tilespmem:$0x1E400] =	vst v63  }
0x43: {  	_ =	swait.ge [sflag:s16], $0x4000  }
0x44: {  	s23 =	sadd.s32 $0xFFFFFFFF, s10;
	[sflag:s16] =	ssyncset.done $0x0  }
.LBB2_4:
0x45: {  	[sflag:s16] =	ssyncadd.s32 $0xFFFFC000;
	s21 =	sadd.s32 $0x80, s21;
	s22 =	sadd.s32 $0x80, s22  }
0x46: {  	[tilespmem:s15], [sflag:$0x1] =	stream.indirect.gather [hbm4b:s4+s17], $0x80, s21, s17, $0xb8;
	[tilespmem:$0x1E400] =	vst v63  }
0x47: {  	p0 =	sne.s32 s23, $0x1;
	s23 =	sadd.s32 $0xFFFFFFFF, s23;
	_ =	swait.ge [sflag:s18], $0x4000  }
.Ltmp2:
0x48: {  	[sflag:s18] =	ssyncset.done $0x0;
	(pc) =	sbr.rel @p0 .LBB2_4-.Ltmp2, $4  }
0x49: {  	[sflag:s18] =	ssyncadd.s32 $0xFFFFC000  }
0x4a: {  	[spmem:s2] =	stream.indirect.scatter.add.f32 [tilespmem:s15], [sflag:$0x2], $0x80, s22, s17, $0xb8;
	[tilespmem:$0x1E400] =	vst v63  }
0x4b: {  	_ =	swait.ge [sflag:s16], $0x4000  }
0x4c: {  	[sflag:s16] =	ssyncset.done $0x0  }
.LBB2_5:
0x4d: {  	s3 =	sadd.s32 $0x1, s3  }
0x4e: {  	[sflag:s16] =	ssyncadd.s32 $0xFFFFC000;
	p0 =	sne.s32 s3, s14  }
.Ltmp3:
0x4f: {  	[bflag:$0x0] =	sbarrier.arrive $0xFFFF;
	(pc) =	sbr.rel @p0 .LBB2_1-.Ltmp3, $4  }
0x50: {  	[hbm:s13], [sflag:s19] =	dma.local [spmem:s20], $0x2780  }
0x51: {  	_ =	swait.ge [sflag:s16], $0x2780  }
0x52: {  	[sflag:s16] =	ssyncset.done $0x0  }
0x53: {  	[sflag:s16] =	ssyncadd.s32 $0xFFFFD880  }
0x54: {  	_ =	sfence.sel $0x180000  }
0x55: {  	[bflag:$0x0] =	sbarrier.arrive $0xFFFF  }
0x56: {  	p0 =	sne.s32 s0, $0x0;
	_ =	strace $0x90000047  }
0x57: {  	s0 =	sadd.s32 @!p0 $0x100000, s1;
	[bflag:$0x2] =	sbarrier.arrive $0xFFFF  }
0x58: {  	[sflag:s0] =	ssyncadd.tile.s32 @!p0 $0x1;
	_ =	shalt  }
.Lfunc_end2:
_tile_overlayer_lowered:
.L_overlay_start_2:
0x59: {  	(tag) =	ssettag $0x2  }
0x5a: {  	s0 =	rddreg [dreg:$0x0];
	s2 =	stileid.u32  }
0x5b: {  	s1 =	rddreg [dreg:$0x1];
	p0 =	sne.s32 s2, $0x0  }
0x5c: {  	s3 =	rddreg [dreg:$0x2];
	[bflag:$0x3] =	sbarrier.arrive $0xFFFF;
	s2 =	simm.s32 @!p0 $0x1C02  }
0x5d: {  	[timem:s3], [sflag:s2] =	dma.local @!p0 [hbm:s0], s1  }
0x5e: {  	s0 =	simm.s32 @!p0 $0x2  }
0x5f: {  	_ =	swait.ge @!p0 [sflag:s0], s1  }
0x60: {  	s1 =	ssub.s32 @!p0 $0x0, s1;
	[sflag:s0] =	ssyncset.done @!p0 $0x0  }
0x61: {  	[sflag:s0] =	ssyncadd.s32 @!p0 s1  }
0x62: {  	[bflag:$0x3] =	sbarrier.arrive $0xFFFF  }
0x63: {  	_ =	shalt  }

</sc_bundles>
